<compile_context>
chip_gen: v7x
topology: tpu7x:2x2x1
jax: 0.10.2.dev20260603
libtpu: 0.0.44.dev20260713+nightly
codegen_flags: <defaults>
</compile_context>

<pallas_src>
import jax
import jax.numpy as jnp
from jax import lax
from jax.experimental import pallas as pl
from jax.experimental.pallas import tpu as pltpu
from jax.experimental.pallas import tpu_sc as plsc

_NUM_CLASSES = 100000
_FEAT_DIM = 128
_BATCH = 16384
_LAMBDA_C = 0.001

_NC = 2
_NS = 16
_NW = _NC * _NS
_PER_W = _BATCH // _NW
_CHUNK = 32
_NCHUNK = _PER_W // _CHUNK
_NBUF = 4
_L = 16
_NJ = _FEAT_DIM // _L


def _sc_body(feats_hbm, labels_hbm, centers_hbm, out_hbm,
             idx_v, acc_v, *bufs_and_sems):
    feats = bufs_and_sems[0:_NBUF]
    rows = bufs_and_sems[_NBUF:2 * _NBUF]
    gsems = bufs_and_sems[2 * _NBUF:3 * _NBUF]
    fsems = bufs_and_sems[3 * _NBUF:4 * _NBUF]

    wid = lax.axis_index("s") * _NC + lax.axis_index("c")
    base = wid * _PER_W

    def start(c, b):
        off = pl.multiple_of(c * _CHUNK, 8)
        pltpu.async_copy(
            centers_hbm.at[idx_v.at[pl.ds(off, _CHUNK)]], rows[b], gsems[b])
        pltpu.async_copy(
            feats_hbm.at[pl.ds(base + c * _CHUNK, _CHUNK)], feats[b], fsems[b])

    def wait(b):
        pltpu.make_async_copy(
            feats_hbm.at[pl.ds(0, _CHUNK)], rows[b], gsems[b]).wait()
        pltpu.make_async_copy(
            feats_hbm.at[pl.ds(0, _CHUNK)], feats[b], fsems[b]).wait()

    pltpu.sync_copy(labels_hbm.at[pl.ds(base, _PER_W)], idx_v)
    for b in range(_NBUF):
        start(b, b)

    accs0 = tuple(jnp.zeros((_L,), jnp.float32) for _ in range(_NJ))

    @pl.loop(0, _NCHUNK, step=_NBUF, init_carry=accs0)
    def accs(g, accs):
        for b in range(_NBUF):
            wait(b)
            f_v, r_v = feats[b], rows[b]

            @plsc.parallel_loop(0, _CHUNK, carry=accs)
            def accs(i, a):
                out = []
                for j in range(_NJ):
                    d = (f_v[i, pl.ds(j * _L, _L)]
                         - r_v[i, pl.ds(j * _L, _L)])
                    out.append(a[j] + d * d)
                return tuple(out)

            c2 = g + b + _NBUF

            @pl.when(c2 < _NCHUNK)
            def _():
                start(c2, b)
        return accs

    total = accs[0]
    for j in range(1, _NJ):
        total = total + accs[j]
    acc_v[...] = total * (_LAMBDA_C / float(_BATCH * _FEAT_DIM))
    pltpu.sync_copy(acc_v, out_hbm.at[wid])


@jax.jit
def _center_loss_sc(features, labels_i32, centers):
    mesh = plsc.VectorSubcoreMesh(core_axis_name="c", subcore_axis_name="s")
    partials = pl.kernel(
        _sc_body,
        out_type=jax.ShapeDtypeStruct((_NW, _L), jnp.float32),
        mesh=mesh,
        scratch_types=(
            [pltpu.VMEM((_PER_W,), jnp.int32),
             pltpu.VMEM((_L,), jnp.float32)]
            + [pltpu.VMEM((_CHUNK, _FEAT_DIM), jnp.float32)
               for _ in range(2 * _NBUF)]
            + [pltpu.SemaphoreType.DMA for _ in range(2 * _NBUF)]
        ),
    )(features, labels_i32, centers)
    return jnp.sum(partials)


def kernel(features, labels, centers):
    return _center_loss_sc(features, labels.astype(jnp.int32), centers)

# --- scband reference (transcript-rebuilt; emitter-appended) ---
"""Pipeline reference for scband-center-loss-51616916963342 (READ-ONLY COPY).

The authoritative reference and input builder live on the scoring server;
editing this copy changes nothing except your own understanding.
"""

import jax, jax.numpy as jnp
import numpy as np

NUM_CLASSES = 100000
FEAT_DIM = 128
BATCH = 16384
LAMBDA_C = 0.001


def setup_inputs(seed: int = 0) -> dict:
    key = jax.random.key(seed)
    k1, k2, k3 = jax.random.split(key, 3)
    features = jax.random.normal(k1, (BATCH, FEAT_DIM), dtype=jnp.float32)
    labels = jax.random.randint(k2, (BATCH,), 0, NUM_CLASSES, dtype=jnp.int64)
    # xavier_uniform init for centers: limit = sqrt(6 / (fan_in + fan_out))
    limit = float(np.sqrt(6.0 / (NUM_CLASSES + FEAT_DIM)))
    centers = jax.random.uniform(k3, (NUM_CLASSES, FEAT_DIM), dtype=jnp.float32, minval=-limit, maxval=limit)
    return {"features": features, "labels": labels, "centers": centers}


def reference(features, labels, centers):
    # centers_batch = self.centers[labels]  -> gather
    centers_batch = jnp.take(centers, labels, axis=0)
    # F.mse_loss with default reduction='mean'
    loss = jnp.mean((features - centers_batch) ** 2)
    return loss * LAMBDA_C

if __name__ == "__main__":
    import jax
    _d = setup_inputs()
    print(jax.jit(kernel)(*tuple(_d.values())))

</pallas_src>

<mosaic_0001>
#map = affine_map<(d0, d1) -> (0, 0)>
#map1 = affine_map<(d0, d1) -> (0)>
module attributes {stable_mosaic.version = 14 : i64} {
  func.func @_sc_body(%arg0: i32, %arg1: i32, %arg2: memref<16384x128xf32, #tpu.memory_space<hbm>>, %arg3: memref<16384xi32, #tpu.memory_space<hbm>>, %arg4: memref<100000x128xf32, #tpu.memory_space<hbm>>, %arg5: memref<32x16xf32, #tpu.memory_space<hbm>>, %arg6: memref<512xi32, #tpu.memory_space<vmem>>, %arg7: memref<16xf32, #tpu.memory_space<vmem>>, %arg8: memref<32x128xf32, #tpu.memory_space<vmem>>, %arg9: memref<32x128xf32, #tpu.memory_space<vmem>>, %arg10: memref<32x128xf32, #tpu.memory_space<vmem>>, %arg11: memref<32x128xf32, #tpu.memory_space<vmem>>, %arg12: memref<32x128xf32, #tpu.memory_space<vmem>>, %arg13: memref<32x128xf32, #tpu.memory_space<vmem>>, %arg14: memref<32x128xf32, #tpu.memory_space<vmem>>, %arg15: memref<32x128xf32, #tpu.memory_space<vmem>>, %arg16: memref<!tpu.dma_semaphore, #tpu.memory_space<semaphore_mem>>, %arg17: memref<!tpu.dma_semaphore, #tpu.memory_space<semaphore_mem>>, %arg18: memref<!tpu.dma_semaphore, #tpu.memory_space<semaphore_mem>>, %arg19: memref<!tpu.dma_semaphore, #tpu.memory_space<semaphore_mem>>, %arg20: memref<!tpu.dma_semaphore, #tpu.memory_space<semaphore_mem>>, %arg21: memref<!tpu.dma_semaphore, #tpu.memory_space<semaphore_mem>>, %arg22: memref<!tpu.dma_semaphore, #tpu.memory_space<semaphore_mem>>, %arg23: memref<!tpu.dma_semaphore, #tpu.memory_space<semaphore_mem>>) attributes {dimension_semantics = [#tpu.dimension_semantics<core_parallel>, #tpu.dimension_semantics<subcore_parallel>], iteration_bounds = array<i64: 2, 16>, scalar_prefetch = 0 : i64, scratch_operands = 18 : i64, tpu.core_type = #tpu.core_type<sc_vector_subcore>, window_params = [{transform_indices = #map}, {transform_indices = #map1}, {transform_indices = #map}, {transform_indices = #map}]} {
    %mul3A = arith.constant 2 : i32
    %mul3A_0 = arith.muli %arg1, %mul3A : i32
    %add3A = arith.addi %mul3A_0, %arg0 : i32
    %mul3A_1 = arith.constant 512 : i32
    %mul3A_2 = arith.muli %add3A, %mul3A_1 : i32
    "tpu.region"() ({
      %run_scoped3A = tpu.sem_alloc : memref<!tpu.dma_semaphore, #tpu.memory_space<semaphore_mem>>
      %dma_start3A_82 = tpu.memref_slice %arg3[%mul3A_2] : memref<16384xi32, #tpu.memory_space<hbm>> -> memref<512xi32, #tpu.memory_space<hbm>>
      %dma_start3A_83 = tpu.memref_slice %arg3[%mul3A_2] : memref<16384xi32, #tpu.memory_space<hbm>> -> memref<512xi32, #tpu.memory_space<hbm>>
      tpu.enqueue_dma source(%dma_start3A_83 : memref<512xi32, #tpu.memory_space<hbm>>) target(%arg6 : memref<512xi32, #tpu.memory_space<vmem>>) target_semaphore(%run_scoped3A : memref<!tpu.dma_semaphore, #tpu.memory_space<semaphore_mem>>)
      %dma_wait3A = tpu.memref_slice %arg3[%mul3A_2] : memref<16384xi32, #tpu.memory_space<hbm>> -> memref<512xi32, #tpu.memory_space<hbm>>
      %dma_wait3A_84 = tpu.memref_slice %arg3[%mul3A_2] : memref<16384xi32, #tpu.memory_space<hbm>> -> memref<512xi32, #tpu.memory_space<hbm>>
      tpu.wait_dma2 semaphore(%run_scoped3A : memref<!tpu.dma_semaphore, #tpu.memory_space<semaphore_mem>>) src(%dma_wait3A_84 : memref<512xi32, #tpu.memory_space<hbm>>) dst(%arg6 : memref<512xi32, #tpu.memory_space<vmem>>)
      tpu.yield
    }) : () -> ()
    %multiple_of3A = arith.constant 0 : i32
    %multiple_of3A_3 = tpu.assume_multiple %multiple_of3A, 8 : i32
    %dma_start3A = tpu.memref_slice %arg6[%multiple_of3A_3] : memref<512xi32, #tpu.memory_space<vmem>> -> memref<32xi32, #tpu.memory_space<vmem>>
    %dma_start3A_4 = arith.constant 0 : i32
    %dma_start3A_5 = arith.constant 0 : i32
    %dma_start3A_6 = tpu.memref_slice %arg4[%dma_start3A_4, %dma_start3A_5] : memref<100000x128xf32, #tpu.memory_space<hbm>> -> memref<100000x128xf32, #tpu.memory_space<hbm>>
    tpu.enqueue_indirect_dma source(%dma_start3A_6 : memref<100000x128xf32, #tpu.memory_space<hbm>>) target(%arg12 : memref<32x128xf32, #tpu.memory_space<vmem>>) offsets(%dma_start3A : memref<32xi32, #tpu.memory_space<vmem>>) semaphore(%arg16 : memref<!tpu.dma_semaphore, #tpu.memory_space<semaphore_mem>>)
    %add3A_7 = arith.constant 0 : i32
    %add3A_8 = arith.addi %mul3A_2, %add3A_7 : i32
    %dma_start3A_9 = arith.constant 0 : i32
    %dma_start3A_10 = tpu.memref_slice %arg2[%add3A_8, %dma_start3A_9] : memref<16384x128xf32, #tpu.memory_space<hbm>> -> memref<32x128xf32, #tpu.memory_space<hbm>>
    %dma_start3A_11 = arith.constant 0 : i32
    %dma_start3A_12 = tpu.memref_slice %arg2[%add3A_8, %dma_start3A_11] : memref<16384x128xf32, #tpu.memory_space<hbm>> -> memref<32x128xf32, #tpu.memory_space<hbm>>
    tpu.enqueue_dma source(%dma_start3A_12 : memref<32x128xf32, #tpu.memory_space<hbm>>) target(%arg8 : memref<32x128xf32, #tpu.memory_space<vmem>>) target_semaphore(%arg20 : memref<!tpu.dma_semaphore, #tpu.memory_space<semaphore_mem>>)
    %multiple_of3A_13 = arith.constant 32 : i32
    %multiple_of3A_14 = tpu.assume_multiple %multiple_of3A_13, 8 : i32
    %dma_start3A_15 = tpu.memref_slice %arg6[%multiple_of3A_14] : memref<512xi32, #tpu.memory_space<vmem>> -> memref<32xi32, #tpu.memory_space<vmem>>
    %dma_start3A_16 = arith.constant 0 : i32
    %dma_start3A_17 = arith.constant 0 : i32
    %dma_start3A_18 = tpu.memref_slice %arg4[%dma_start3A_16, %dma_start3A_17] : memref<100000x128xf32, #tpu.memory_space<hbm>> -> memref<100000x128xf32, #tpu.memory_space<hbm>>
    tpu.enqueue_indirect_dma source(%dma_start3A_18 : memref<100000x128xf32, #tpu.memory_space<hbm>>) target(%arg13 : memref<32x128xf32, #tpu.memory_space<vmem>>) offsets(%dma_start3A_15 : memref<32xi32, #tpu.memory_space<vmem>>) semaphore(%arg17 : memref<!tpu.dma_semaphore, #tpu.memory_space<semaphore_mem>>)
    %add3A_19 = arith.constant 32 : i32
    %add3A_20 = arith.addi %mul3A_2, %add3A_19 : i32
    %dma_start3A_21 = arith.constant 0 : i32
    %dma_start3A_22 = tpu.memref_slice %arg2[%add3A_20, %dma_start3A_21] : memref<16384x128xf32, #tpu.memory_space<hbm>> -> memref<32x128xf32, #tpu.memory_space<hbm>>
    %dma_start3A_23 = arith.constant 0 : i32
    %dma_start3A_24 = tpu.memref_slice %arg2[%add3A_20, %dma_start3A_23] : memref<16384x128xf32, #tpu.memory_space<hbm>> -> memref<32x128xf32, #tpu.memory_space<hbm>>
    tpu.enqueue_dma source(%dma_start3A_24 : memref<32x128xf32, #tpu.memory_space<hbm>>) target(%arg9 : memref<32x128xf32, #tpu.memory_space<vmem>>) target_semaphore(%arg21 : memref<!tpu.dma_semaphore, #tpu.memory_space<semaphore_mem>>)
    %multiple_of3A_25 = arith.constant 64 : i32
    %multiple_of3A_26 = tpu.assume_multiple %multiple_of3A_25, 8 : i32
    %dma_start3A_27 = tpu.memref_slice %arg6[%multiple_of3A_26] : memref<512xi32, #tpu.memory_space<vmem>> -> memref<32xi32, #tpu.memory_space<vmem>>
    %dma_start3A_28 = arith.constant 0 : i32
    %dma_start3A_29 = arith.constant 0 : i32
    %dma_start3A_30 = tpu.memref_slice %arg4[%dma_start3A_28, %dma_start3A_29] : memref<100000x128xf32, #tpu.memory_space<hbm>> -> memref<100000x128xf32, #tpu.memory_space<hbm>>
    tpu.enqueue_indirect_dma source(%dma_start3A_30 : memref<100000x128xf32, #tpu.memory_space<hbm>>) target(%arg14 : memref<32x128xf32, #tpu.memory_space<vmem>>) offsets(%dma_start3A_27 : memref<32xi32, #tpu.memory_space<vmem>>) semaphore(%arg18 : memref<!tpu.dma_semaphore, #tpu.memory_space<semaphore_mem>>)
    %add3A_31 = arith.constant 64 : i32
    %add3A_32 = arith.addi %mul3A_2, %add3A_31 : i32
    %dma_start3A_33 = arith.constant 0 : i32
    %dma_start3A_34 = tpu.memref_slice %arg2[%add3A_32, %dma_start3A_33] : memref<16384x128xf32, #tpu.memory_space<hbm>> -> memref<32x128xf32, #tpu.memory_space<hbm>>
    %dma_start3A_35 = arith.constant 0 : i32
    %dma_start3A_36 = tpu.memref_slice %arg2[%add3A_32, %dma_start3A_35] : memref<16384x128xf32, #tpu.memory_space<hbm>> -> memref<32x128xf32, #tpu.memory_space<hbm>>
    tpu.enqueue_dma source(%dma_start3A_36 : memref<32x128xf32, #tpu.memory_space<hbm>>) target(%arg10 : memref<32x128xf32, #tpu.memory_space<vmem>>) target_semaphore(%arg22 : memref<!tpu.dma_semaphore, #tpu.memory_space<semaphore_mem>>)
    %multiple_of3A_37 = arith.constant 96 : i32
    %multiple_of3A_38 = tpu.assume_multiple %multiple_of3A_37, 8 : i32
    %dma_start3A_39 = tpu.memref_slice %arg6[%multiple_of3A_38] : memref<512xi32, #tpu.memory_space<vmem>> -> memref<32xi32, #tpu.memory_space<vmem>>
    %dma_start3A_40 = arith.constant 0 : i32
    %dma_start3A_41 = arith.constant 0 : i32
    %dma_start3A_42 = tpu.memref_slice %arg4[%dma_start3A_40, %dma_start3A_41] : memref<100000x128xf32, #tpu.memory_space<hbm>> -> memref<100000x128xf32, #tpu.memory_space<hbm>>
    tpu.enqueue_indirect_dma source(%dma_start3A_42 : memref<100000x128xf32, #tpu.memory_space<hbm>>) target(%arg15 : memref<32x128xf32, #tpu.memory_space<vmem>>) offsets(%dma_start3A_39 : memref<32xi32, #tpu.memory_space<vmem>>) semaphore(%arg19 : memref<!tpu.dma_semaphore, #tpu.memory_space<semaphore_mem>>)
    %add3A_43 = arith.constant 96 : i32
    %add3A_44 = arith.addi %mul3A_2, %add3A_43 : i32
    %dma_start3A_45 = arith.constant 0 : i32
    %dma_start3A_46 = tpu.memref_slice %arg2[%add3A_44, %dma_start3A_45] : memref<16384x128xf32, #tpu.memory_space<hbm>> -> memref<32x128xf32, #tpu.memory_space<hbm>>
    %dma_start3A_47 = arith.constant 0 : i32
    %dma_start3A_48 = tpu.memref_slice %arg2[%add3A_44, %dma_start3A_47] : memref<16384x128xf32, #tpu.memory_space<hbm>> -> memref<32x128xf32, #tpu.memory_space<hbm>>
    tpu.enqueue_dma source(%dma_start3A_48 : memref<32x128xf32, #tpu.memory_space<hbm>>) target(%arg11 : memref<32x128xf32, #tpu.memory_space<vmem>>) target_semaphore(%arg23 : memref<!tpu.dma_semaphore, #tpu.memory_space<semaphore_mem>>)
    %broadcast_in_dim3A = arith.constant 0.000000e+00 : f32
    %broadcast_in_dim3A_49 = vector.broadcast %broadcast_in_dim3A : f32 to vector<16xf32>
    %broadcast_in_dim3A_50 = arith.constant 0.000000e+00 : f32
    %broadcast_in_dim3A_51 = vector.broadcast %broadcast_in_dim3A_50 : f32 to vector<16xf32>
    %broadcast_in_dim3A_52 = arith.constant 0.000000e+00 : f32
    %broadcast_in_dim3A_53 = vector.broadcast %broadcast_in_dim3A_52 : f32 to vector<16xf32>
    %broadcast_in_dim3A_54 = arith.constant 0.000000e+00 : f32
    %broadcast_in_dim3A_55 = vector.broadcast %broadcast_in_dim3A_54 : f32 to vector<16xf32>
    %broadcast_in_dim3A_56 = arith.constant 0.000000e+00 : f32
    %broadcast_in_dim3A_57 = vector.broadcast %broadcast_in_dim3A_56 : f32 to vector<16xf32>
    %broadcast_in_dim3A_58 = arith.constant 0.000000e+00 : f32
    %broadcast_in_dim3A_59 = vector.broadcast %broadcast_in_dim3A_58 : f32 to vector<16xf32>
    %broadcast_in_dim3A_60 = arith.constant 0.000000e+00 : f32
    %broadcast_in_dim3A_61 = vector.broadcast %broadcast_in_dim3A_60 : f32 to vector<16xf32>
    %broadcast_in_dim3A_62 = arith.constant 0.000000e+00 : f32
    %broadcast_in_dim3A_63 = vector.broadcast %broadcast_in_dim3A_62 : f32 to vector<16xf32>
    %scan3A = arith.constant 0 : i32
    %scan3A_64 = arith.constant 4 : i32
    %scan3A_65 = arith.addi %scan3A, %scan3A_64 : i32
    %scan3A_66 = arith.constant 1 : i32
    %scan3A_67:8 = scf.for %scan3A_82 = %scan3A to %scan3A_65 step %scan3A_66 iter_args(%scan3A_83 = %broadcast_in_dim3A_49, %scan3A_84 = %broadcast_in_dim3A_51, %scan3A_85 = %broadcast_in_dim3A_53, %scan3A_86 = %broadcast_in_dim3A_55, %scan3A_87 = %broadcast_in_dim3A_57, %scan3A_88 = %broadcast_in_dim3A_59, %scan3A_89 = %broadcast_in_dim3A_61, %scan3A_90 = %broadcast_in_dim3A_63) -> (vector<16xf32>, vector<16xf32>, vector<16xf32>, vector<16xf32>, vector<16xf32>, vector<16xf32>, vector<16xf32>, vector<16xf32>)  : i32 {
      %mul3A_91 = arith.constant 4 : i32
      %mul3A_92 = arith.muli %scan3A_82, %mul3A_91 : i32
      %add3A_93 = arith.constant 0 : i32
      %add3A_94 = arith.addi %add3A_93, %mul3A_92 : i32
      %dma_wait3A = arith.constant 0 : i32
      %dma_wait3A_95 = arith.constant 0 : i32
      %dma_wait3A_96 = tpu.memref_slice %arg2[%dma_wait3A, %dma_wait3A_95] : memref<16384x128xf32, #tpu.memory_space<hbm>> -> memref<32x128xf32, #tpu.memory_space<hbm>>
      %dma_wait3A_97 = arith.constant 0 : i32
      %dma_wait3A_98 = arith.constant 0 : i32
      %dma_wait3A_99 = tpu.memref_slice %arg2[%dma_wait3A_97, %dma_wait3A_98] : memref<16384x128xf32, #tpu.memory_space<hbm>> -> memref<32x128xf32, #tpu.memory_space<hbm>>
      tpu.wait_dma2 semaphore(%arg16 : memref<!tpu.dma_semaphore, #tpu.memory_space<semaphore_mem>>) src(%dma_wait3A_99 : memref<32x128xf32, #tpu.memory_space<hbm>>) dst(%arg12 : memref<32x128xf32, #tpu.memory_space<vmem>>)
      %dma_wait3A_100 = arith.constant 0 : i32
      %dma_wait3A_101 = arith.constant 0 : i32
      %dma_wait3A_102 = tpu.memref_slice %arg2[%dma_wait3A_100, %dma_wait3A_101] : memref<16384x128xf32, #tpu.memory_space<hbm>> -> memref<32x128xf32, #tpu.memory_space<hbm>>
      %dma_wait3A_103 = arith.constant 0 : i32
      %dma_wait3A_104 = arith.constant 0 : i32
      %dma_wait3A_105 = tpu.memref_slice %arg2[%dma_wait3A_103, %dma_wait3A_104] : memref<16384x128xf32, #tpu.memory_space<hbm>> -> memref<32x128xf32, #tpu.memory_space<hbm>>
      tpu.wait_dma2 semaphore(%arg20 : memref<!tpu.dma_semaphore, #tpu.memory_space<semaphore_mem>>) src(%dma_wait3A_105 : memref<32x128xf32, #tpu.memory_space<hbm>>) dst(%arg8 : memref<32x128xf32, #tpu.memory_space<vmem>>)
      %parallel_loop3A = arith.constant 0 : i32
      %parallel_loop3A_106 = arith.constant 32 : i32
      %parallel_loop3A_107 = arith.constant 1 : i32
      %parallel_loop3A_108:8 = scf.for %parallel_loop3A_190 = %parallel_loop3A to %parallel_loop3A_106 step %parallel_loop3A_107 iter_args(%parallel_loop3A_191 = %scan3A_83, %parallel_loop3A_192 = %scan3A_84, %parallel_loop3A_193 = %scan3A_85, %parallel_loop3A_194 = %scan3A_86, %parallel_loop3A_195 = %scan3A_87, %parallel_loop3A_196 = %scan3A_88, %parallel_loop3A_197 = %scan3A_89, %parallel_loop3A_198 = %scan3A_90) -> (vector<16xf32>, vector<16xf32>, vector<16xf32>, vector<16xf32>, vector<16xf32>, vector<16xf32>, vector<16xf32>, vector<16xf32>)  : i32 {
        %parallel_loop3A_199 = arith.index_cast %parallel_loop3A_190 : i32 to index
        %parallel_loop3A_200 = arith.constant 0 : index
        %parallel_loop3A_201 = tpu.vector_load %arg8[%parallel_loop3A_199, %parallel_loop3A_200] {strides = array<i32>} : memref<32x128xf32, #tpu.memory_space<vmem>>, vector<1x16xf32>,
        %parallel_loop3A_202 = vector.shape_cast %parallel_loop3A_201 : vector<1x16xf32> to vector<16xf32>
        %parallel_loop3A_203 = arith.index_cast %parallel_loop3A_190 : i32 to index
        %parallel_loop3A_204 = arith.constant 0 : index
        %parallel_loop3A_205 = tpu.vector_load %arg12[%parallel_loop3A_203, %parallel_loop3A_204] {strides = array<i32>} : memref<32x128xf32, #tpu.memory_space<vmem>>, vector<1x16xf32>,
        %parallel_loop3A_206 = vector.shape_cast %parallel_loop3A_205 : vector<1x16xf32> to vector<16xf32>
        %parallel_loop3A_207 = arith.subf %parallel_loop3A_202, %parallel_loop3A_206 : vector<16xf32>
        %parallel_loop3A_208 = arith.mulf %parallel_loop3A_207, %parallel_loop3A_207 : vector<16xf32>
        %parallel_loop3A_209 = arith.addf %parallel_loop3A_191, %parallel_loop3A_208 : vector<16xf32>
        %parallel_loop3A_210 = arith.index_cast %parallel_loop3A_190 : i32 to index
        %parallel_loop3A_211 = arith.constant 16 : index
        %parallel_loop3A_212 = tpu.vector_load %arg8[%parallel_loop3A_210, %parallel_loop3A_211] {strides = array<i32>} : memref<32x128xf32, #tpu.memory_space<vmem>>, vector<1x16xf32>,
        %parallel_loop3A_213 = vector.shape_cast %parallel_loop3A_212 : vector<1x16xf32> to vector<16xf32>
        %parallel_loop3A_214 = arith.index_cast %parallel_loop3A_190 : i32 to index
        %parallel_loop3A_215 = arith.constant 16 : index
        %parallel_loop3A_216 = tpu.vector_load %arg12[%parallel_loop3A_214, %parallel_loop3A_215] {strides = array<i32>} : memref<32x128xf32, #tpu.memory_space<vmem>>, vector<1x16xf32>,
        %parallel_loop3A_217 = vector.shape_cast %parallel_loop3A_216 : vector<1x16xf32> to vector<16xf32>
        %parallel_loop3A_218 = arith.subf %parallel_loop3A_213, %parallel_loop3A_217 : vector<16xf32>
        %parallel_loop3A_219 = arith.mulf %parallel_loop3A_218, %parallel_loop3A_218 : vector<16xf32>
        %parallel_loop3A_220 = arith.addf %parallel_loop3A_192, %parallel_loop3A_219 : vector<16xf32>
        %parallel_loop3A_221 = arith.index_cast %parallel_loop3A_190 : i32 to index
        %parallel_loop3A_222 = arith.constant 32 : index
        %parallel_loop3A_223 = tpu.vector_load %arg8[%parallel_loop3A_221, %parallel_loop3A_222] {strides = array<i32>} : memref<32x128xf32, #tpu.memory_space<vmem>>, vector<1x16xf32>,
        %parallel_loop3A_224 = vector.shape_cast %parallel_loop3A_223 : vector<1x16xf32> to vector<16xf32>
        %parallel_loop3A_225 = arith.index_cast %parallel_loop3A_190 : i32 to index
        %parallel_loop3A_226 = arith.constant 32 : index
        %parallel_loop3A_227 = tpu.vector_load %arg12[%parallel_loop3A_225, %parallel_loop3A_226] {strides = array<i32>} : memref<32x128xf32, #tpu.memory_space<vmem>>, vector<1x16xf32>,
        %parallel_loop3A_228 = vector.shape_cast %parallel_loop3A_227 : vector<1x16xf32> to vector<16xf32>
        %parallel_loop3A_229 = arith.subf %parallel_loop3A_224, %parallel_loop3A_228 : vector<16xf32>
        %parallel_loop3A_230 = arith.mulf %parallel_loop3A_229, %parallel_loop3A_229 : vector<16xf32>
        %parallel_loop3A_231 = arith.addf %parallel_loop3A_193, %parallel_loop3A_230 : vector<16xf32>
        %parallel_loop3A_232 = arith.index_cast %parallel_loop3A_190 : i32 to index
        %parallel_loop3A_233 = arith.constant 48 : index
        %parallel_loop3A_234 = tpu.vector_load %arg8[%parallel_loop3A_232, %parallel_loop3A_233] {strides = array<i32>} : memref<32x128xf32, #tpu.memory_space<vmem>>, vector<1x16xf32>,
        %parallel_loop3A_235 = vector.shape_cast %parallel_loop3A_234 : vector<1x16xf32> to vector<16xf32>
        %parallel_loop3A_236 = arith.index_cast %parallel_loop3A_190 : i32 to index
        %parallel_loop3A_237 = arith.constant 48 : index
        %parallel_loop3A_238 = tpu.vector_load %arg12[%parallel_loop3A_236, %parallel_loop3A_237] {strides = array<i32>} : memref<32x128xf32, #tpu.memory_space<vmem>>, vector<1x16xf32>,
        %parallel_loop3A_239 = vector.shape_cast %parallel_loop3A_238 : vector<1x16xf32> to vector<16xf32>
        %parallel_loop3A_240 = arith.subf %parallel_loop3A_235, %parallel_loop3A_239 : vector<16xf32>
        %parallel_loop3A_241 = arith.mulf %parallel_loop3A_240, %parallel_loop3A_240 : vector<16xf32>
        %parallel_loop3A_242 = arith.addf %parallel_loop3A_194, %parallel_loop3A_241 : vector<16xf32>
        %parallel_loop3A_243 = arith.index_cast %parallel_loop3A_190 : i32 to index
        %parallel_loop3A_244 = arith.constant 64 : index
        %parallel_loop3A_245 = tpu.vector_load %arg8[%parallel_loop3A_243, %parallel_loop3A_244] {strides = array<i32>} : memref<32x128xf32, #tpu.memory_space<vmem>>, vector<1x16xf32>,
        %parallel_loop3A_246 = vector.shape_cast %parallel_loop3A_245 : vector<1x16xf32> to vector<16xf32>
        %parallel_loop3A_247 = arith.index_cast %parallel_loop3A_190 : i32 to index
        %parallel_loop3A_248 = arith.constant 64 : index
        %parallel_loop3A_249 = tpu.vector_load %arg12[%parallel_loop3A_247, %parallel_loop3A_248] {strides = array<i32>} : memref<32x128xf32, #tpu.memory_space<vmem>>, vector<1x16xf32>,
        %parallel_loop3A_250 = vector.shape_cast %parallel_loop3A_249 : vector<1x16xf32> to vector<16xf32>
        %parallel_loop3A_251 = arith.subf %parallel_loop3A_246, %parallel_loop3A_250 : vector<16xf32>
        %parallel_loop3A_252 = arith.mulf %parallel_loop3A_251, %parallel_loop3A_251 : vector<16xf32>
        %parallel_loop3A_253 = arith.addf %parallel_loop3A_195, %parallel_loop3A_252 : vector<16xf32>
        %parallel_loop3A_254 = arith.index_cast %parallel_loop3A_190 : i32 to index
        %parallel_loop3A_255 = arith.constant 80 : index
        %parallel_loop3A_256 = tpu.vector_load %arg8[%parallel_loop3A_254, %parallel_loop3A_255] {strides = array<i32>} : memref<32x128xf32, #tpu.memory_space<vmem>>, vector<1x16xf32>,
        %parallel_loop3A_257 = vector.shape_cast %parallel_loop3A_256 : vector<1x16xf32> to vector<16xf32>
        %parallel_loop3A_258 = arith.index_cast %parallel_loop3A_190 : i32 to index
        %parallel_loop3A_259 = arith.constant 80 : index
        %parallel_loop3A_260 = tpu.vector_load %arg12[%parallel_loop3A_258, %parallel_loop3A_259] {strides = array<i32>} : memref<32x128xf32, #tpu.memory_space<vmem>>, vector<1x16xf32>,
        %parallel_loop3A_261 = vector.shape_cast %parallel_loop3A_260 : vector<1x16xf32> to vector<16xf32>
        %parallel_loop3A_262 = arith.subf %parallel_loop3A_257, %parallel_loop3A_261 : vector<16xf32>
        %parallel_loop3A_263 = arith.mulf %parallel_loop3A_262, %parallel_loop3A_262 : vector<16xf32>
        %parallel_loop3A_264 = arith.addf %parallel_loop3A_196, %parallel_loop3A_263 : vector<16xf32>
        %parallel_loop3A_265 = arith.index_cast %parallel_loop3A_190 : i32 to index
        %parallel_loop3A_266 = arith.constant 96 : index
        %parallel_loop3A_267 = tpu.vector_load %arg8[%parallel_loop3A_265, %parallel_loop3A_266] {strides = array<i32>} : memref<32x128xf32, #tpu.memory_space<vmem>>, vector<1x16xf32>,
        %parallel_loop3A_268 = vector.shape_cast %parallel_loop3A_267 : vector<1x16xf32> to vector<16xf32>
        %parallel_loop3A_269 = arith.index_cast %parallel_loop3A_190 : i32 to index
        %parallel_loop3A_270 = arith.constant 96 : index
        %parallel_loop3A_271 = tpu.vector_load %arg12[%parallel_loop3A_269, %parallel_loop3A_270] {strides = array<i32>} : memref<32x128xf32, #tpu.memory_space<vmem>>, vector<1x16xf32>,
        %parallel_loop3A_272 = vector.shape_cast %parallel_loop3A_271 : vector<1x16xf32> to vector<16xf32>
        %parallel_loop3A_273 = arith.subf %parallel_loop3A_268, %parallel_loop3A_272 : vector<16xf32>
        %parallel_loop3A_274 = arith.mulf %parallel_loop3A_273, %parallel_loop3A_273 : vector<16xf32>
        %parallel_loop3A_275 = arith.addf %parallel_loop3A_197, %parallel_loop3A_274 : vector<16xf32>
        %parallel_loop3A_276 = arith.index_cast %parallel_loop3A_190 : i32 to index
        %parallel_loop3A_277 = arith.constant 112 : index
        %parallel_loop3A_278 = tpu.vector_load %arg8[%parallel_loop3A_276, %parallel_loop3A_277] {strides = array<i32>} : memref<32x128xf32, #tpu.memory_space<vmem>>, vector<1x16xf32>,
        %parallel_loop3A_279 = vector.shape_cast %parallel_loop3A_278 : vector<1x16xf32> to vector<16xf32>
        %parallel_loop3A_280 = arith.index_cast %parallel_loop3A_190 : i32 to index
        %parallel_loop3A_281 = arith.constant 112 : index
        %parallel_loop3A_282 = tpu.vector_load %arg12[%parallel_loop3A_280, %parallel_loop3A_281] {strides = array<i32>} : memref<32x128xf32, #tpu.memory_space<vmem>>, vector<1x16xf32>,
        %parallel_loop3A_283 = vector.shape_cast %parallel_loop3A_282 : vector<1x16xf32> to vector<16xf32>
        %parallel_loop3A_284 = arith.subf %parallel_loop3A_279, %parallel_loop3A_283 : vector<16xf32>
        %parallel_loop3A_285 = arith.mulf %parallel_loop3A_284, %parallel_loop3A_284 : vector<16xf32>
        %parallel_loop3A_286 = arith.addf %parallel_loop3A_198, %parallel_loop3A_285 : vector<16xf32>
        scf.yield %parallel_loop3A_209, %parallel_loop3A_220, %parallel_loop3A_231, %parallel_loop3A_242, %parallel_loop3A_253, %parallel_loop3A_264, %parallel_loop3A_275, %parallel_loop3A_286 : vector<16xf32>, vector<16xf32>, vector<16xf32>, vector<16xf32>, vector<16xf32>, vector<16xf32>, vector<16xf32>, vector<16xf32>
      } {sc.loop_unroll_factor = 1 : i64, sc.parallel_access}
      %add3A_109 = arith.constant 0 : i32
      %add3A_110 = arith.addi %add3A_94, %add3A_109 : i32
      %add3A_111 = arith.constant 4 : i32
      %add3A_112 = arith.addi %add3A_110, %add3A_111 : i32
      %lt3A = arith.constant 16 : i32
      %lt3A_113 = arith.cmpi slt, %add3A_112, %lt3A : i32
      %convert_element_type3A = arith.extui %lt3A_113 : i1 to i32
      %cond3A = arith.constant 0 : i32
      %cond3A_114 = arith.cmpi ne, %convert_element_type3A, %cond3A : i32
      scf.if %cond3A_114 {
        %mul3A_190 = arith.constant 32 : i32
        %mul3A_191 = arith.muli %add3A_112, %mul3A_190 : i32
        %multiple_of3A_192 = tpu.assume_multiple %mul3A_191, 8 : i32
        %dma_start3A_193 = tpu.memref_slice %arg6[%multiple_of3A_192] : memref<512xi32, #tpu.memory_space<vmem>> -> memref<32xi32, #tpu.memory_space<vmem>>
        %dma_start3A_194 = arith.constant 0 : i32
        %dma_start3A_195 = arith.constant 0 : i32
        %dma_start3A_196 = tpu.memref_slice %arg4[%dma_start3A_194, %dma_start3A_195] : memref<100000x128xf32, #tpu.memory_space<hbm>> -> memref<100000x128xf32, #tpu.memory_space<hbm>>
        tpu.enqueue_indirect_dma source(%dma_start3A_196 : memref<100000x128xf32, #tpu.memory_space<hbm>>) target(%arg12 : memref<32x128xf32, #tpu.memory_space<vmem>>) offsets(%dma_start3A_193 : memref<32xi32, #tpu.memory_space<vmem>>) semaphore(%arg16 : memref<!tpu.dma_semaphore, #tpu.memory_space<semaphore_mem>>)
        %mul3A_197 = arith.constant 32 : i32
        %mul3A_198 = arith.muli %add3A_112, %mul3A_197 : i32
        %add3A_199 = arith.addi %mul3A_2, %mul3A_198 : i32
        %dma_start3A_200 = arith.constant 0 : i32
        %dma_start3A_201 = tpu.memref_slice %arg2[%add3A_199, %dma_start3A_200] : memref<16384x128xf32, #tpu.memory_space<hbm>> -> memref<32x128xf32, #tpu.memory_space<hbm>>
        %dma_start3A_202 = arith.constant 0 : i32
        %dma_start3A_203 = tpu.memref_slice %arg2[%add3A_199, %dma_start3A_202] : memref<16384x128xf32, #tpu.memory_space<hbm>> -> memref<32x128xf32, #tpu.memory_space<hbm>>
        tpu.enqueue_dma source(%dma_start3A_203 : memref<32x128xf32, #tpu.memory_space<hbm>>) target(%arg8 : memref<32x128xf32, #tpu.memory_space<vmem>>) target_semaphore(%arg20 : memref<!tpu.dma_semaphore, #tpu.memory_space<semaphore_mem>>)
      } else {
      }
      %dma_wait3A_115 = arith.constant 0 : i32
      %dma_wait3A_116 = arith.constant 0 : i32
      %dma_wait3A_117 = tpu.memref_slice %arg2[%dma_wait3A_115, %dma_wait3A_116] : memref<16384x128xf32, #tpu.memory_space<hbm>> -> memref<32x128xf32, #tpu.memory_space<hbm>>
      %dma_wait3A_118 = arith.constant 0 : i32
      %dma_wait3A_119 = arith.constant 0 : i32
      %dma_wait3A_120 = tpu.memref_slice %arg2[%dma_wait3A_118, %dma_wait3A_119] : memref<16384x128xf32, #tpu.memory_space<hbm>> -> memref<32x128xf32, #tpu.memory_space<hbm>>
      tpu.wait_dma2 semaphore(%arg17 : memref<!tpu.dma_semaphore, #tpu.memory_space<semaphore_mem>>) src(%dma_wait3A_120 : memref<32x128xf32, #tpu.memory_space<hbm>>) dst(%arg13 : memref<32x128xf32, #tpu.memory_space<vmem>>)
      %dma_wait3A_121 = arith.constant 0 : i32
      %dma_wait3A_122 = arith.constant 0 : i32
      %dma_wait3A_123 = tpu.memref_slice %arg2[%dma_wait3A_121, %dma_wait3A_122] : memref<16384x128xf32, #tpu.memory_space<hbm>> -> memref<32x128xf32, #tpu.memory_space<hbm>>
      %dma_wait3A_124 = arith.constant 0 : i32
      %dma_wait3A_125 = arith.constant 0 : i32
      %dma_wait3A_126 = tpu.memref_slice %arg2[%dma_wait3A_124, %dma_wait3A_125] : memref<16384x128xf32, #tpu.memory_space<hbm>> -> memref<32x128xf32, #tpu.memory_space<hbm>>
      tpu.wait_dma2 semaphore(%arg21 : memref<!tpu.dma_semaphore, #tpu.memory_space<semaphore_mem>>) src(%dma_wait3A_126 : memref<32x128xf32, #tpu.memory_space<hbm>>) dst(%arg9 : memref<32x128xf32, #tpu.memory_space<vmem>>)
      %parallel_loop3A_127 = arith.constant 0 : i32
      %parallel_loop3A_128 = arith.constant 32 : i32
      %parallel_loop3A_129 = arith.constant 1 : i32
      %parallel_loop3A_130:8 = scf.for %parallel_loop3A_190 = %parallel_loop3A_127 to %parallel_loop3A_128 step %parallel_loop3A_129 iter_args(%parallel_loop3A_191 = %parallel_loop3A_108#0, %parallel_loop3A_192 = %parallel_loop3A_108#1, %parallel_loop3A_193 = %parallel_loop3A_108#2, %parallel_loop3A_194 = %parallel_loop3A_108#3, %parallel_loop3A_195 = %parallel_loop3A_108#4, %parallel_loop3A_196 = %parallel_loop3A_108#5, %parallel_loop3A_197 = %parallel_loop3A_108#6, %parallel_loop3A_198 = %parallel_loop3A_108#7) -> (vector<16xf32>, vector<16xf32>, vector<16xf32>, vector<16xf32>, vector<16xf32>, vector<16xf32>, vector<16xf32>, vector<16xf32>)  : i32 {
        %parallel_loop3A_199 = arith.index_cast %parallel_loop3A_190 : i32 to index
        %parallel_loop3A_200 = arith.constant 0 : index
        %parallel_loop3A_201 = tpu.vector_load %arg9[%parallel_loop3A_199, %parallel_loop3A_200] {strides = array<i32>} : memref<32x128xf32, #tpu.memory_space<vmem>>, vector<1x16xf32>,
        %parallel_loop3A_202 = vector.shape_cast %parallel_loop3A_201 : vector<1x16xf32> to vector<16xf32>
        %parallel_loop3A_203 = arith.index_cast %parallel_loop3A_190 : i32 to index
        %parallel_loop3A_204 = arith.constant 0 : index
        %parallel_loop3A_205 = tpu.vector_load %arg13[%parallel_loop3A_203, %parallel_loop3A_204] {strides = array<i32>} : memref<32x128xf32, #tpu.memory_space<vmem>>, vector<1x16xf32>,
        %parallel_loop3A_206 = vector.shape_cast %parallel_loop3A_205 : vector<1x16xf32> to vector<16xf32>
        %parallel_loop3A_207 = arith.subf %parallel_loop3A_202, %parallel_loop3A_206 : vector<16xf32>
        %parallel_loop3A_208 = arith.mulf %parallel_loop3A_207, %parallel_loop3A_207 : vector<16xf32>
        %parallel_loop3A_209 = arith.addf %parallel_loop3A_191, %parallel_loop3A_208 : vector<16xf32>
        %parallel_loop3A_210 = arith.index_cast %parallel_loop3A_190 : i32 to index
        %parallel_loop3A_211 = arith.constant 16 : index
        %parallel_loop3A_212 = tpu.vector_load %arg9[%parallel_loop3A_210, %parallel_loop3A_211] {strides = array<i32>} : memref<32x128xf32, #tpu.memory_space<vmem>>, vector<1x16xf32>,
        %parallel_loop3A_213 = vector.shape_cast %parallel_loop3A_212 : vector<1x16xf32> to vector<16xf32>
        %parallel_loop3A_214 = arith.index_cast %parallel_loop3A_190 : i32 to index
        %parallel_loop3A_215 = arith.constant 16 : index
        %parallel_loop3A_216 = tpu.vector_load %arg13[%parallel_loop3A_214, %parallel_loop3A_215] {strides = array<i32>} : memref<32x128xf32, #tpu.memory_space<vmem>>, vector<1x16xf32>,
        %parallel_loop3A_217 = vector.shape_cast %parallel_loop3A_216 : vector<1x16xf32> to vector<16xf32>
        %parallel_loop3A_218 = arith.subf %parallel_loop3A_213, %parallel_loop3A_217 : vector<16xf32>
        %parallel_loop3A_219 = arith.mulf %parallel_loop3A_218, %parallel_loop3A_218 : vector<16xf32>
        %parallel_loop3A_220 = arith.addf %parallel_loop3A_192, %parallel_loop3A_219 : vector<16xf32>
        %parallel_loop3A_221 = arith.index_cast %parallel_loop3A_190 : i32 to index
        %parallel_loop3A_222 = arith.constant 32 : index
        %parallel_loop3A_223 = tpu.vector_load %arg9[%parallel_loop3A_221, %parallel_loop3A_222] {strides = array<i32>} : memref<32x128xf32, #tpu.memory_space<vmem>>, vector<1x16xf32>,
        %parallel_loop3A_224 = vector.shape_cast %parallel_loop3A_223 : vector<1x16xf32> to vector<16xf32>
        %parallel_loop3A_225 = arith.index_cast %parallel_loop3A_190 : i32 to index
        %parallel_loop3A_226 = arith.constant 32 : index
        %parallel_loop3A_227 = tpu.vector_load %arg13[%parallel_loop3A_225, %parallel_loop3A_226] {strides = array<i32>} : memref<32x128xf32, #tpu.memory_space<vmem>>, vector<1x16xf32>,
        %parallel_loop3A_228 = vector.shape_cast %parallel_loop3A_227 : vector<1x16xf32> to vector<16xf32>
        %parallel_loop3A_229 = arith.subf %parallel_loop3A_224, %parallel_loop3A_228 : vector<16xf32>
        %parallel_loop3A_230 = arith.mulf %parallel_loop3A_229, %parallel_loop3A_229 : vector<16xf32>
        %parallel_loop3A_231 = arith.addf %parallel_loop3A_193, %parallel_loop3A_230 : vector<16xf32>
        %parallel_loop3A_232 = arith.index_cast %parallel_loop3A_190 : i32 to index
        %parallel_loop3A_233 = arith.constant 48 : index
        %parallel_loop3A_234 = tpu.vector_load %arg9[%parallel_loop3A_232, %parallel_loop3A_233] {strides = array<i32>} : memref<32x128xf32, #tpu.memory_space<vmem>>, vector<1x16xf32>,
        %parallel_loop3A_235 = vector.shape_cast %parallel_loop3A_234 : vector<1x16xf32> to vector<16xf32>
        %parallel_loop3A_236 = arith.index_cast %parallel_loop3A_190 : i32 to index
        %parallel_loop3A_237 = arith.constant 48 : index
        %parallel_loop3A_238 = tpu.vector_load %arg13[%parallel_loop3A_236, %parallel_loop3A_237] {strides = array<i32>} : memref<32x128xf32, #tpu.memory_space<vmem>>, vector<1x16xf32>,
        %parallel_loop3A_239 = vector.shape_cast %parallel_loop3A_238 : vector<1x16xf32> to vector<16xf32>
        %parallel_loop3A_240 = arith.subf %parallel_loop3A_235, %parallel_loop3A_239 : vector<16xf32>
        %parallel_loop3A_241 = arith.mulf %parallel_loop3A_240, %parallel_loop3A_240 : vector<16xf32>
        %parallel_loop3A_242 = arith.addf %parallel_loop3A_194, %parallel_loop3A_241 : vector<16xf32>
        %parallel_loop3A_243 = arith.index_cast %parallel_loop3A_190 : i32 to index
        %parallel_loop3A_244 = arith.constant 64 : index
        %parallel_loop3A_245 = tpu.vector_load %arg9[%parallel_loop3A_243, %parallel_loop3A_244] {strides = array<i32>} : memref<32x128xf32, #tpu.memory_space<vmem>>, vector<1x16xf32>,
        %parallel_loop3A_246 = vector.shape_cast %parallel_loop3A_245 : vector<1x16xf32> to vector<16xf32>
        %parallel_loop3A_247 = arith.index_cast %parallel_loop3A_190 : i32 to index
        %parallel_loop3A_248 = arith.constant 64 : index
        %parallel_loop3A_249 = tpu.vector_load %arg13[%parallel_loop3A_247, %parallel_loop3A_248] {strides = array<i32>} : memref<32x128xf32, #tpu.memory_space<vmem>>, vector<1x16xf32>,
        %parallel_loop3A_250 = vector.shape_cast %parallel_loop3A_249 : vector<1x16xf32> to vector<16xf32>
        %parallel_loop3A_251 = arith.subf %parallel_loop3A_246, %parallel_loop3A_250 : vector<16xf32>
        %parallel_loop3A_252 = arith.mulf %parallel_loop3A_251, %parallel_loop3A_251 : vector<16xf32>
        %parallel_loop3A_253 = arith.addf %parallel_loop3A_195, %parallel_loop3A_252 : vector<16xf32>
        %parallel_loop3A_254 = arith.index_cast %parallel_loop3A_190 : i32 to index
        %parallel_loop3A_255 = arith.constant 80 : index
        %parallel_loop3A_256 = tpu.vector_load %arg9[%parallel_loop3A_254, %parallel_loop3A_255] {strides = array<i32>} : memref<32x128xf32, #tpu.memory_space<vmem>>, vector<1x16xf32>,
        %parallel_loop3A_257 = vector.shape_cast %parallel_loop3A_256 : vector<1x16xf32> to vector<16xf32>
        %parallel_loop3A_258 = arith.index_cast %parallel_loop3A_190 : i32 to index
        %parallel_loop3A_259 = arith.constant 80 : index
        %parallel_loop3A_260 = tpu.vector_load %arg13[%parallel_loop3A_258, %parallel_loop3A_259] {strides = array<i32>} : memref<32x128xf32, #tpu.memory_space<vmem>>, vector<1x16xf32>,
        %parallel_loop3A_261 = vector.shape_cast %parallel_loop3A_260 : vector<1x16xf32> to vector<16xf32>
        %parallel_loop3A_262 = arith.subf %parallel_loop3A_257, %parallel_loop3A_261 : vector<16xf32>
        %parallel_loop3A_263 = arith.mulf %parallel_loop3A_262, %parallel_loop3A_262 : vector<16xf32>
        %parallel_loop3A_264 = arith.addf %parallel_loop3A_196, %parallel_loop3A_263 : vector<16xf32>
        %parallel_loop3A_265 = arith.index_cast %parallel_loop3A_190 : i32 to index
        %parallel_loop3A_266 = arith.constant 96 : index
        %parallel_loop3A_267 = tpu.vector_load %arg9[%parallel_loop3A_265, %parallel_loop3A_266] {strides = array<i32>} : memref<32x128xf32, #tpu.memory_space<vmem>>, vector<1x16xf32>,
        %parallel_loop3A_268 = vector.shape_cast %parallel_loop3A_267 : vector<1x16xf32> to vector<16xf32>
        %parallel_loop3A_269 = arith.index_cast %parallel_loop3A_190 : i32 to index
        %parallel_loop3A_270 = arith.constant 96 : index
        %parallel_loop3A_271 = tpu.vector_load %arg13[%parallel_loop3A_269, %parallel_loop3A_270] {strides = array<i32>} : memref<32x128xf32, #tpu.memory_space<vmem>>, vector<1x16xf32>,
        %parallel_loop3A_272 = vector.shape_cast %parallel_loop3A_271 : vector<1x16xf32> to vector<16xf32>
        %parallel_loop3A_273 = arith.subf %parallel_loop3A_268, %parallel_loop3A_272 : vector<16xf32>
        %parallel_loop3A_274 = arith.mulf %parallel_loop3A_273, %parallel_loop3A_273 : vector<16xf32>
        %parallel_loop3A_275 = arith.addf %parallel_loop3A_197, %parallel_loop3A_274 : vector<16xf32>
        %parallel_loop3A_276 = arith.index_cast %parallel_loop3A_190 : i32 to index
        %parallel_loop3A_277 = arith.constant 112 : index
        %parallel_loop3A_278 = tpu.vector_load %arg9[%parallel_loop3A_276, %parallel_loop3A_277] {strides = array<i32>} : memref<32x128xf32, #tpu.memory_space<vmem>>, vector<1x16xf32>,
        %parallel_loop3A_279 = vector.shape_cast %parallel_loop3A_278 : vector<1x16xf32> to vector<16xf32>
        %parallel_loop3A_280 = arith.index_cast %parallel_loop3A_190 : i32 to index
        %parallel_loop3A_281 = arith.constant 112 : index
        %parallel_loop3A_282 = tpu.vector_load %arg13[%parallel_loop3A_280, %parallel_loop3A_281] {strides = array<i32>} : memref<32x128xf32, #tpu.memory_space<vmem>>, vector<1x16xf32>,
        %parallel_loop3A_283 = vector.shape_cast %parallel_loop3A_282 : vector<1x16xf32> to vector<16xf32>
        %parallel_loop3A_284 = arith.subf %parallel_loop3A_279, %parallel_loop3A_283 : vector<16xf32>
        %parallel_loop3A_285 = arith.mulf %parallel_loop3A_284, %parallel_loop3A_284 : vector<16xf32>
        %parallel_loop3A_286 = arith.addf %parallel_loop3A_198, %parallel_loop3A_285 : vector<16xf32>
        scf.yield %parallel_loop3A_209, %parallel_loop3A_220, %parallel_loop3A_231, %parallel_loop3A_242, %parallel_loop3A_253, %parallel_loop3A_264, %parallel_loop3A_275, %parallel_loop3A_286 : vector<16xf32>, vector<16xf32>, vector<16xf32>, vector<16xf32>, vector<16xf32>, vector<16xf32>, vector<16xf32>, vector<16xf32>
      } {sc.loop_unroll_factor = 1 : i64, sc.parallel_access}
      %add3A_131 = arith.constant 1 : i32
      %add3A_132 = arith.addi %add3A_94, %add3A_131 : i32
      %add3A_133 = arith.constant 4 : i32
      %add3A_134 = arith.addi %add3A_132, %add3A_133 : i32
      %lt3A_135 = arith.constant 16 : i32
      %lt3A_136 = arith.cmpi slt, %add3A_134, %lt3A_135 : i32
      %convert_element_type3A_137 = arith.extui %lt3A_136 : i1 to i32
      %cond3A_138 = arith.constant 0 : i32
      %cond3A_139 = arith.cmpi ne, %convert_element_type3A_137, %cond3A_138 : i32
      scf.if %cond3A_139 {
        %mul3A_190 = arith.constant 32 : i32
        %mul3A_191 = arith.muli %add3A_134, %mul3A_190 : i32
        %multiple_of3A_192 = tpu.assume_multiple %mul3A_191, 8 : i32
        %dma_start3A_193 = tpu.memref_slice %arg6[%multiple_of3A_192] : memref<512xi32, #tpu.memory_space<vmem>> -> memref<32xi32, #tpu.memory_space<vmem>>
        %dma_start3A_194 = arith.constant 0 : i32
        %dma_start3A_195 = arith.constant 0 : i32
        %dma_start3A_196 = tpu.memref_slice %arg4[%dma_start3A_194, %dma_start3A_195] : memref<100000x128xf32, #tpu.memory_space<hbm>> -> memref<100000x128xf32, #tpu.memory_space<hbm>>
        tpu.enqueue_indirect_dma source(%dma_start3A_196 : memref<100000x128xf32, #tpu.memory_space<hbm>>) target(%arg13 : memref<32x128xf32, #tpu.memory_space<vmem>>) offsets(%dma_start3A_193 : memref<32xi32, #tpu.memory_space<vmem>>) semaphore(%arg17 : memref<!tpu.dma_semaphore, #tpu.memory_space<semaphore_mem>>)
        %mul3A_197 = arith.constant 32 : i32
        %mul3A_198 = arith.muli %add3A_134, %mul3A_197 : i32
        %add3A_199 = arith.addi %mul3A_2, %mul3A_198 : i32
        %dma_start3A_200 = arith.constant 0 : i32
        %dma_start3A_201 = tpu.memref_slice %arg2[%add3A_199, %dma_start3A_200] : memref<16384x128xf32, #tpu.memory_space<hbm>> -> memref<32x128xf32, #tpu.memory_space<hbm>>
        %dma_start3A_202 = arith.constant 0 : i32
        %dma_start3A_203 = tpu.memref_slice %arg2[%add3A_199, %dma_start3A_202] : memref<16384x128xf32, #tpu.memory_space<hbm>> -> memref<32x128xf32, #tpu.memory_space<hbm>>
        tpu.enqueue_dma source(%dma_start3A_203 : memref<32x128xf32, #tpu.memory_space<hbm>>) target(%arg9 : memref<32x128xf32, #tpu.memory_space<vmem>>) target_semaphore(%arg21 : memref<!tpu.dma_semaphore, #tpu.memory_space<semaphore_mem>>)
      } else {
      }
      %dma_wait3A_140 = arith.constant 0 : i32
      %dma_wait3A_141 = arith.constant 0 : i32
      %dma_wait3A_142 = tpu.memref_slice %arg2[%dma_wait3A_140, %dma_wait3A_141] : memref<16384x128xf32, #tpu.memory_space<hbm>> -> memref<32x128xf32, #tpu.memory_space<hbm>>
      %dma_wait3A_143 = arith.constant 0 : i32
      %dma_wait3A_144 = arith.constant 0 : i32
      %dma_wait3A_145 = tpu.memref_slice %arg2[%dma_wait3A_143, %dma_wait3A_144] : memref<16384x128xf32, #tpu.memory_space<hbm>> -> memref<32x128xf32, #tpu.memory_space<hbm>>
      tpu.wait_dma2 semaphore(%arg18 : memref<!tpu.dma_semaphore, #tpu.memory_space<semaphore_mem>>) src(%dma_wait3A_145 : memref<32x128xf32, #tpu.memory_space<hbm>>) dst(%arg14 : memref<32x128xf32, #tpu.memory_space<vmem>>)
      %dma_wait3A_146 = arith.constant 0 : i32
      %dma_wait3A_147 = arith.constant 0 : i32
      %dma_wait3A_148 = tpu.memref_slice %arg2[%dma_wait3A_146, %dma_wait3A_147] : memref<16384x128xf32, #tpu.memory_space<hbm>> -> memref<32x128xf32, #tpu.memory_space<hbm>>
      %dma_wait3A_149 = arith.constant 0 : i32
      %dma_wait3A_150 = arith.constant 0 : i32
      %dma_wait3A_151 = tpu.memref_slice %arg2[%dma_wait3A_149, %dma_wait3A_150] : memref<16384x128xf32, #tpu.memory_space<hbm>> -> memref<32x128xf32, #tpu.memory_space<hbm>>
      tpu.wait_dma2 semaphore(%arg22 : memref<!tpu.dma_semaphore, #tpu.memory_space<semaphore_mem>>) src(%dma_wait3A_151 : memref<32x128xf32, #tpu.memory_space<hbm>>) dst(%arg10 : memref<32x128xf32, #tpu.memory_space<vmem>>)
      %parallel_loop3A_152 = arith.constant 0 : i32
      %parallel_loop3A_153 = arith.constant 32 : i32
      %parallel_loop3A_154 = arith.constant 1 : i32
      %parallel_loop3A_155:8 = scf.for %parallel_loop3A_190 = %parallel_loop3A_152 to %parallel_loop3A_153 step %parallel_loop3A_154 iter_args(%parallel_loop3A_191 = %parallel_loop3A_130#0, %parallel_loop3A_192 = %parallel_loop3A_130#1, %parallel_loop3A_193 = %parallel_loop3A_130#2, %parallel_loop3A_194 = %parallel_loop3A_130#3, %parallel_loop3A_195 = %parallel_loop3A_130#4, %parallel_loop3A_196 = %parallel_loop3A_130#5, %parallel_loop3A_197 = %parallel_loop3A_130#6, %parallel_loop3A_198 = %parallel_loop3A_130#7) -> (vector<16xf32>, vector<16xf32>, vector<16xf32>, vector<16xf32>, vector<16xf32>, vector<16xf32>, vector<16xf32>, vector<16xf32>)  : i32 {
        %parallel_loop3A_199 = arith.index_cast %parallel_loop3A_190 : i32 to index
        %parallel_loop3A_200 = arith.constant 0 : index
        %parallel_loop3A_201 = tpu.vector_load %arg10[%parallel_loop3A_199, %parallel_loop3A_200] {strides = array<i32>} : memref<32x128xf32, #tpu.memory_space<vmem>>, vector<1x16xf32>,
        %parallel_loop3A_202 = vector.shape_cast %parallel_loop3A_201 : vector<1x16xf32> to vector<16xf32>
        %parallel_loop3A_203 = arith.index_cast %parallel_loop3A_190 : i32 to index
        %parallel_loop3A_204 = arith.constant 0 : index
        %parallel_loop3A_205 = tpu.vector_load %arg14[%parallel_loop3A_203, %parallel_loop3A_204] {strides = array<i32>} : memref<32x128xf32, #tpu.memory_space<vmem>>, vector<1x16xf32>,
        %parallel_loop3A_206 = vector.shape_cast %parallel_loop3A_205 : vector<1x16xf32> to vector<16xf32>
        %parallel_loop3A_207 = arith.subf %parallel_loop3A_202, %parallel_loop3A_206 : vector<16xf32>
        %parallel_loop3A_208 = arith.mulf %parallel_loop3A_207, %parallel_loop3A_207 : vector<16xf32>
        %parallel_loop3A_209 = arith.addf %parallel_loop3A_191, %parallel_loop3A_208 : vector<16xf32>
        %parallel_loop3A_210 = arith.index_cast %parallel_loop3A_190 : i32 to index
        %parallel_loop3A_211 = arith.constant 16 : index
        %parallel_loop3A_212 = tpu.vector_load %arg10[%parallel_loop3A_210, %parallel_loop3A_211] {strides = array<i32>} : memref<32x128xf32, #tpu.memory_space<vmem>>, vector<1x16xf32>,
        %parallel_loop3A_213 = vector.shape_cast %parallel_loop3A_212 : vector<1x16xf32> to vector<16xf32>
        %parallel_loop3A_214 = arith.index_cast %parallel_loop3A_190 : i32 to index
        %parallel_loop3A_215 = arith.constant 16 : index
        %parallel_loop3A_216 = tpu.vector_load %arg14[%parallel_loop3A_214, %parallel_loop3A_215] {strides = array<i32>} : memref<32x128xf32, #tpu.memory_space<vmem>>, vector<1x16xf32>,
        %parallel_loop3A_217 = vector.shape_cast %parallel_loop3A_216 : vector<1x16xf32> to vector<16xf32>
        %parallel_loop3A_218 = arith.subf %parallel_loop3A_213, %parallel_loop3A_217 : vector<16xf32>
        %parallel_loop3A_219 = arith.mulf %parallel_loop3A_218, %parallel_loop3A_218 : vector<16xf32>
        %parallel_loop3A_220 = arith.addf %parallel_loop3A_192, %parallel_loop3A_219 : vector<16xf32>
        %parallel_loop3A_221 = arith.index_cast %parallel_loop3A_190 : i32 to index
        %parallel_loop3A_222 = arith.constant 32 : index
        %parallel_loop3A_223 = tpu.vector_load %arg10[%parallel_loop3A_221, %parallel_loop3A_222] {strides = array<i32>} : memref<32x128xf32, #tpu.memory_space<vmem>>, vector<1x16xf32>,
        %parallel_loop3A_224 = vector.shape_cast %parallel_loop3A_223 : vector<1x16xf32> to vector<16xf32>
        %parallel_loop3A_225 = arith.index_cast %parallel_loop3A_190 : i32 to index
        %parallel_loop3A_226 = arith.constant 32 : index
        %parallel_loop3A_227 = tpu.vector_load %arg14[%parallel_loop3A_225, %parallel_loop3A_226] {strides = array<i32>} : memref<32x128xf32, #tpu.memory_space<vmem>>, vector<1x16xf32>,
        %parallel_loop3A_228 = vector.shape_cast %parallel_loop3A_227 : vector<1x16xf32> to vector<16xf32>
        %parallel_loop3A_229 = arith.subf %parallel_loop3A_224, %parallel_loop3A_228 : vector<16xf32>
        %parallel_loop3A_230 = arith.mulf %parallel_loop3A_229, %parallel_loop3A_229 : vector<16xf32>
        %parallel_loop3A_231 = arith.addf %parallel_loop3A_193, %parallel_loop3A_230 : vector<16xf32>
        %parallel_loop3A_232 = arith.index_cast %parallel_loop3A_190 : i32 to index
        %parallel_loop3A_233 = arith.constant 48 : index
        %parallel_loop3A_234 = tpu.vector_load %arg10[%parallel_loop3A_232, %parallel_loop3A_233] {strides = array<i32>} : memref<32x128xf32, #tpu.memory_space<vmem>>, vector<1x16xf32>,
        %parallel_loop3A_235 = vector.shape_cast %parallel_loop3A_234 : vector<1x16xf32> to vector<16xf32>
        %parallel_loop3A_236 = arith.index_cast %parallel_loop3A_190 : i32 to index
        %parallel_loop3A_237 = arith.constant 48 : index
        %parallel_loop3A_238 = tpu.vector_load %arg14[%parallel_loop3A_236, %parallel_loop3A_237] {strides = array<i32>} : memref<32x128xf32, #tpu.memory_space<vmem>>, vector<1x16xf32>,
        %parallel_loop3A_239 = vector.shape_cast %parallel_loop3A_238 : vector<1x16xf32> to vector<16xf32>
        %parallel_loop3A_240 = arith.subf %parallel_loop3A_235, %parallel_loop3A_239 : vector<16xf32>
        %parallel_loop3A_241 = arith.mulf %parallel_loop3A_240, %parallel_loop3A_240 : vector<16xf32>
        %parallel_loop3A_242 = arith.addf %parallel_loop3A_194, %parallel_loop3A_241 : vector<16xf32>
        %parallel_loop3A_243 = arith.index_cast %parallel_loop3A_190 : i32 to index
        %parallel_loop3A_244 = arith.constant 64 : index
        %parallel_loop3A_245 = tpu.vector_load %arg10[%parallel_loop3A_243, %parallel_loop3A_244] {strides = array<i32>} : memref<32x128xf32, #tpu.memory_space<vmem>>, vector<1x16xf32>,
        %parallel_loop3A_246 = vector.shape_cast %parallel_loop3A_245 : vector<1x16xf32> to vector<16xf32>
        %parallel_loop3A_247 = arith.index_cast %parallel_loop3A_190 : i32 to index
        %parallel_loop3A_248 = arith.constant 64 : index
        %parallel_loop3A_249 = tpu.vector_load %arg14[%parallel_loop3A_247, %parallel_loop3A_248] {strides = array<i32>} : memref<32x128xf32, #tpu.memory_space<vmem>>, vector<1x16xf32>,
        %parallel_loop3A_250 = vector.shape_cast %parallel_loop3A_249 : vector<1x16xf32> to vector<16xf32>
        %parallel_loop3A_251 = arith.subf %parallel_loop3A_246, %parallel_loop3A_250 : vector<16xf32>
        %parallel_loop3A_252 = arith.mulf %parallel_loop3A_251, %parallel_loop3A_251 : vector<16xf32>
        %parallel_loop3A_253 = arith.addf %parallel_loop3A_195, %parallel_loop3A_252 : vector<16xf32>
        %parallel_loop3A_254 = arith.index_cast %parallel_loop3A_190 : i32 to index
        %parallel_loop3A_255 = arith.constant 80 : index
        %parallel_loop3A_256 = tpu.vector_load %arg10[%parallel_loop3A_254, %parallel_loop3A_255] {strides = array<i32>} : memref<32x128xf32, #tpu.memory_space<vmem>>, vector<1x16xf32>,
        %parallel_loop3A_257 = vector.shape_cast %parallel_loop3A_256 : vector<1x16xf32> to vector<16xf32>
        %parallel_loop3A_258 = arith.index_cast %parallel_loop3A_190 : i32 to index
        %parallel_loop3A_259 = arith.constant 80 : index
        %parallel_loop3A_260 = tpu.vector_load %arg14[%parallel_loop3A_258, %parallel_loop3A_259] {strides = array<i32>} : memref<32x128xf32, #tpu.memory_space<vmem>>, vector<1x16xf32>,
        %parallel_loop3A_261 = vector.shape_cast %parallel_loop3A_260 : vector<1x16xf32> to vector<16xf32>
        %parallel_loop3A_262 = arith.subf %parallel_loop3A_257, %parallel_loop3A_261 : vector<16xf32>
        %parallel_loop3A_263 = arith.mulf %parallel_loop3A_262, %parallel_loop3A_262 : vector<16xf32>
        %parallel_loop3A_264 = arith.addf %parallel_loop3A_196, %parallel_loop3A_263 : vector<16xf32>
        %parallel_loop3A_265 = arith.index_cast %parallel_loop3A_190 : i32 to index
        %parallel_loop3A_266 = arith.constant 96 : index
        %parallel_loop3A_267 = tpu.vector_load %arg10[%parallel_loop3A_265, %parallel_loop3A_266] {strides = array<i32>} : memref<32x128xf32, #tpu.memory_space<vmem>>, vector<1x16xf32>,
        %parallel_loop3A_268 = vector.shape_cast %parallel_loop3A_267 : vector<1x16xf32> to vector<16xf32>
        %parallel_loop3A_269 = arith.index_cast %parallel_loop3A_190 : i32 to index
        %parallel_loop3A_270 = arith.constant 96 : index
        %parallel_loop3A_271 = tpu.vector_load %arg14[%parallel_loop3A_269, %parallel_loop3A_270] {strides = array<i32>} : memref<32x128xf32, #tpu.memory_space<vmem>>, vector<1x16xf32>,
        %parallel_loop3A_272 = vector.shape_cast %parallel_loop3A_271 : vector<1x16xf32> to vector<16xf32>
        %parallel_loop3A_273 = arith.subf %parallel_loop3A_268, %parallel_loop3A_272 : vector<16xf32>
        %parallel_loop3A_274 = arith.mulf %parallel_loop3A_273, %parallel_loop3A_273 : vector<16xf32>
        %parallel_loop3A_275 = arith.addf %parallel_loop3A_197, %parallel_loop3A_274 : vector<16xf32>
        %parallel_loop3A_276 = arith.index_cast %parallel_loop3A_190 : i32 to index
        %parallel_loop3A_277 = arith.constant 112 : index
        %parallel_loop3A_278 = tpu.vector_load %arg10[%parallel_loop3A_276, %parallel_loop3A_277] {strides = array<i32>} : memref<32x128xf32, #tpu.memory_space<vmem>>, vector<1x16xf32>,
        %parallel_loop3A_279 = vector.shape_cast %parallel_loop3A_278 : vector<1x16xf32> to vector<16xf32>
        %parallel_loop3A_280 = arith.index_cast %parallel_loop3A_190 : i32 to index
        %parallel_loop3A_281 = arith.constant 112 : index
        %parallel_loop3A_282 = tpu.vector_load %arg14[%parallel_loop3A_280, %parallel_loop3A_281] {strides = array<i32>} : memref<32x128xf32, #tpu.memory_space<vmem>>, vector<1x16xf32>,
        %parallel_loop3A_283 = vector.shape_cast %parallel_loop3A_282 : vector<1x16xf32> to vector<16xf32>
        %parallel_loop3A_284 = arith.subf %parallel_loop3A_279, %parallel_loop3A_283 : vector<16xf32>
        %parallel_loop3A_285 = arith.mulf %parallel_loop3A_284, %parallel_loop3A_284 : vector<16xf32>
        %parallel_loop3A_286 = arith.addf %parallel_loop3A_198, %parallel_loop3A_285 : vector<16xf32>
        scf.yield %parallel_loop3A_209, %parallel_loop3A_220, %parallel_loop3A_231, %parallel_loop3A_242, %parallel_loop3A_253, %parallel_loop3A_264, %parallel_loop3A_275, %parallel_loop3A_286 : vector<16xf32>, vector<16xf32>, vector<16xf32>, vector<16xf32>, vector<16xf32>, vector<16xf32>, vector<16xf32>, vector<16xf32>
      } {sc.loop_unroll_factor = 1 : i64, sc.parallel_access}
      %add3A_156 = arith.constant 2 : i32
      %add3A_157 = arith.addi %add3A_94, %add3A_156 : i32
      %add3A_158 = arith.constant 4 : i32
      %add3A_159 = arith.addi %add3A_157, %add3A_158 : i32
      %lt3A_160 = arith.constant 16 : i32
      %lt3A_161 = arith.cmpi slt, %add3A_159, %lt3A_160 : i32
      %convert_element_type3A_162 = arith.extui %lt3A_161 : i1 to i32
      %cond3A_163 = arith.constant 0 : i32
      %cond3A_164 = arith.cmpi ne, %convert_element_type3A_162, %cond3A_163 : i32
      scf.if %cond3A_164 {
        %mul3A_190 = arith.constant 32 : i32
        %mul3A_191 = arith.muli %add3A_159, %mul3A_190 : i32
        %multiple_of3A_192 = tpu.assume_multiple %mul3A_191, 8 : i32
        %dma_start3A_193 = tpu.memref_slice %arg6[%multiple_of3A_192] : memref<512xi32, #tpu.memory_space<vmem>> -> memref<32xi32, #tpu.memory_space<vmem>>
        %dma_start3A_194 = arith.constant 0 : i32
        %dma_start3A_195 = arith.constant 0 : i32
        %dma_start3A_196 = tpu.memref_slice %arg4[%dma_start3A_194, %dma_start3A_195] : memref<100000x128xf32, #tpu.memory_space<hbm>> -> memref<100000x128xf32, #tpu.memory_space<hbm>>
        tpu.enqueue_indirect_dma source(%dma_start3A_196 : memref<100000x128xf32, #tpu.memory_space<hbm>>) target(%arg14 : memref<32x128xf32, #tpu.memory_space<vmem>>) offsets(%dma_start3A_193 : memref<32xi32, #tpu.memory_space<vmem>>) semaphore(%arg18 : memref<!tpu.dma_semaphore, #tpu.memory_space<semaphore_mem>>)
        %mul3A_197 = arith.constant 32 : i32
        %mul3A_198 = arith.muli %add3A_159, %mul3A_197 : i32
        %add3A_199 = arith.addi %mul3A_2, %mul3A_198 : i32
        %dma_start3A_200 = arith.constant 0 : i32
        %dma_start3A_201 = tpu.memref_slice %arg2[%add3A_199, %dma_start3A_200] : memref<16384x128xf32, #tpu.memory_space<hbm>> -> memref<32x128xf32, #tpu.memory_space<hbm>>
        %dma_start3A_202 = arith.constant 0 : i32
        %dma_start3A_203 = tpu.memref_slice %arg2[%add3A_199, %dma_start3A_202] : memref<16384x128xf32, #tpu.memory_space<hbm>> -> memref<32x128xf32, #tpu.memory_space<hbm>>
        tpu.enqueue_dma source(%dma_start3A_203 : memref<32x128xf32, #tpu.memory_space<hbm>>) target(%arg10 : memref<32x128xf32, #tpu.memory_space<vmem>>) target_semaphore(%arg22 : memref<!tpu.dma_semaphore, #tpu.memory_space<semaphore_mem>>)
      } else {
      }
      %dma_wait3A_165 = arith.constant 0 : i32
      %dma_wait3A_166 = arith.constant 0 : i32
      %dma_wait3A_167 = tpu.memref_slice %arg2[%dma_wait3A_165, %dma_wait3A_166] : memref<16384x128xf32, #tpu.memory_space<hbm>> -> memref<32x128xf32, #tpu.memory_space<hbm>>
      %dma_wait3A_168 = arith.constant 0 : i32
      %dma_wait3A_169 = arith.constant 0 : i32
      %dma_wait3A_170 = tpu.memref_slice %arg2[%dma_wait3A_168, %dma_wait3A_169] : memref<16384x128xf32, #tpu.memory_space<hbm>> -> memref<32x128xf32, #tpu.memory_space<hbm>>
      tpu.wait_dma2 semaphore(%arg19 : memref<!tpu.dma_semaphore, #tpu.memory_space<semaphore_mem>>) src(%dma_wait3A_170 : memref<32x128xf32, #tpu.memory_space<hbm>>) dst(%arg15 : memref<32x128xf32, #tpu.memory_space<vmem>>)
      %dma_wait3A_171 = arith.constant 0 : i32
      %dma_wait3A_172 = arith.constant 0 : i32
      %dma_wait3A_173 = tpu.memref_slice %arg2[%dma_wait3A_171, %dma_wait3A_172] : memref<16384x128xf32, #tpu.memory_space<hbm>> -> memref<32x128xf32, #tpu.memory_space<hbm>>
      %dma_wait3A_174 = arith.constant 0 : i32
      %dma_wait3A_175 = arith.constant 0 : i32
      %dma_wait3A_176 = tpu.memref_slice %arg2[%dma_wait3A_174, %dma_wait3A_175] : memref<16384x128xf32, #tpu.memory_space<hbm>> -> memref<32x128xf32, #tpu.memory_space<hbm>>
      tpu.wait_dma2 semaphore(%arg23 : memref<!tpu.dma_semaphore, #tpu.memory_space<semaphore_mem>>) src(%dma_wait3A_176 : memref<32x128xf32, #tpu.memory_space<hbm>>) dst(%arg11 : memref<32x128xf32, #tpu.memory_space<vmem>>)
      %parallel_loop3A_177 = arith.constant 0 : i32
      %parallel_loop3A_178 = arith.constant 32 : i32
      %parallel_loop3A_179 = arith.constant 1 : i32
      %parallel_loop3A_180:8 = scf.for %parallel_loop3A_190 = %parallel_loop3A_177 to %parallel_loop3A_178 step %parallel_loop3A_179 iter_args(%parallel_loop3A_191 = %parallel_loop3A_155#0, %parallel_loop3A_192 = %parallel_loop3A_155#1, %parallel_loop3A_193 = %parallel_loop3A_155#2, %parallel_loop3A_194 = %parallel_loop3A_155#3, %parallel_loop3A_195 = %parallel_loop3A_155#4, %parallel_loop3A_196 = %parallel_loop3A_155#5, %parallel_loop3A_197 = %parallel_loop3A_155#6, %parallel_loop3A_198 = %parallel_loop3A_155#7) -> (vector<16xf32>, vector<16xf32>, vector<16xf32>, vector<16xf32>, vector<16xf32>, vector<16xf32>, vector<16xf32>, vector<16xf32>)  : i32 {
        %parallel_loop3A_199 = arith.index_cast %parallel_loop3A_190 : i32 to index
        %parallel_loop3A_200 = arith.constant 0 : index
        %parallel_loop3A_201 = tpu.vector_load %arg11[%parallel_loop3A_199, %parallel_loop3A_200] {strides = array<i32>} : memref<32x128xf32, #tpu.memory_space<vmem>>, vector<1x16xf32>,
        %parallel_loop3A_202 = vector.shape_cast %parallel_loop3A_201 : vector<1x16xf32> to vector<16xf32>
        %parallel_loop3A_203 = arith.index_cast %parallel_loop3A_190 : i32 to index
        %parallel_loop3A_204 = arith.constant 0 : index
        %parallel_loop3A_205 = tpu.vector_load %arg15[%parallel_loop3A_203, %parallel_loop3A_204] {strides = array<i32>} : memref<32x128xf32, #tpu.memory_space<vmem>>, vector<1x16xf32>,
        %parallel_loop3A_206 = vector.shape_cast %parallel_loop3A_205 : vector<1x16xf32> to vector<16xf32>
        %parallel_loop3A_207 = arith.subf %parallel_loop3A_202, %parallel_loop3A_206 : vector<16xf32>
        %parallel_loop3A_208 = arith.mulf %parallel_loop3A_207, %parallel_loop3A_207 : vector<16xf32>
        %parallel_loop3A_209 = arith.addf %parallel_loop3A_191, %parallel_loop3A_208 : vector<16xf32>
        %parallel_loop3A_210 = arith.index_cast %parallel_loop3A_190 : i32 to index
        %parallel_loop3A_211 = arith.constant 16 : index
        %parallel_loop3A_212 = tpu.vector_load %arg11[%parallel_loop3A_210, %parallel_loop3A_211] {strides = array<i32>} : memref<32x128xf32, #tpu.memory_space<vmem>>, vector<1x16xf32>,
        %parallel_loop3A_213 = vector.shape_cast %parallel_loop3A_212 : vector<1x16xf32> to vector<16xf32>
        %parallel_loop3A_214 = arith.index_cast %parallel_loop3A_190 : i32 to index
        %parallel_loop3A_215 = arith.constant 16 : index
        %parallel_loop3A_216 = tpu.vector_load %arg15[%parallel_loop3A_214, %parallel_loop3A_215] {strides = array<i32>} : memref<32x128xf32, #tpu.memory_space<vmem>>, vector<1x16xf32>,
        %parallel_loop3A_217 = vector.shape_cast %parallel_loop3A_216 : vector<1x16xf32> to vector<16xf32>
        %parallel_loop3A_218 = arith.subf %parallel_loop3A_213, %parallel_loop3A_217 : vector<16xf32>
        %parallel_loop3A_219 = arith.mulf %parallel_loop3A_218, %parallel_loop3A_218 : vector<16xf32>
        %parallel_loop3A_220 = arith.addf %parallel_loop3A_192, %parallel_loop3A_219 : vector<16xf32>
        %parallel_loop3A_221 = arith.index_cast %parallel_loop3A_190 : i32 to index
        %parallel_loop3A_222 = arith.constant 32 : index
        %parallel_loop3A_223 = tpu.vector_load %arg11[%parallel_loop3A_221, %parallel_loop3A_222] {strides = array<i32>} : memref<32x128xf32, #tpu.memory_space<vmem>>, vector<1x16xf32>,
        %parallel_loop3A_224 = vector.shape_cast %parallel_loop3A_223 : vector<1x16xf32> to vector<16xf32>
        %parallel_loop3A_225 = arith.index_cast %parallel_loop3A_190 : i32 to index
        %parallel_loop3A_226 = arith.constant 32 : index
        %parallel_loop3A_227 = tpu.vector_load %arg15[%parallel_loop3A_225, %parallel_loop3A_226] {strides = array<i32>} : memref<32x128xf32, #tpu.memory_space<vmem>>, vector<1x16xf32>,
        %parallel_loop3A_228 = vector.shape_cast %parallel_loop3A_227 : vector<1x16xf32> to vector<16xf32>
        %parallel_loop3A_229 = arith.subf %parallel_loop3A_224, %parallel_loop3A_228 : vector<16xf32>
        %parallel_loop3A_230 = arith.mulf %parallel_loop3A_229, %parallel_loop3A_229 : vector<16xf32>
        %parallel_loop3A_231 = arith.addf %parallel_loop3A_193, %parallel_loop3A_230 : vector<16xf32>
        %parallel_loop3A_232 = arith.index_cast %parallel_loop3A_190 : i32 to index
        %parallel_loop3A_233 = arith.constant 48 : index
        %parallel_loop3A_234 = tpu.vector_load %arg11[%parallel_loop3A_232, %parallel_loop3A_233] {strides = array<i32>} : memref<32x128xf32, #tpu.memory_space<vmem>>, vector<1x16xf32>,
        %parallel_loop3A_235 = vector.shape_cast %parallel_loop3A_234 : vector<1x16xf32> to vector<16xf32>
        %parallel_loop3A_236 = arith.index_cast %parallel_loop3A_190 : i32 to index
        %parallel_loop3A_237 = arith.constant 48 : index
        %parallel_loop3A_238 = tpu.vector_load %arg15[%parallel_loop3A_236, %parallel_loop3A_237] {strides = array<i32>} : memref<32x128xf32, #tpu.memory_space<vmem>>, vector<1x16xf32>,
        %parallel_loop3A_239 = vector.shape_cast %parallel_loop3A_238 : vector<1x16xf32> to vector<16xf32>
        %parallel_loop3A_240 = arith.subf %parallel_loop3A_235, %parallel_loop3A_239 : vector<16xf32>
        %parallel_loop3A_241 = arith.mulf %parallel_loop3A_240, %parallel_loop3A_240 : vector<16xf32>
        %parallel_loop3A_242 = arith.addf %parallel_loop3A_194, %parallel_loop3A_241 : vector<16xf32>
        %parallel_loop3A_243 = arith.index_cast %parallel_loop3A_190 : i32 to index
        %parallel_loop3A_244 = arith.constant 64 : index
        %parallel_loop3A_245 = tpu.vector_load %arg11[%parallel_loop3A_243, %parallel_loop3A_244] {strides = array<i32>} : memref<32x128xf32, #tpu.memory_space<vmem>>, vector<1x16xf32>,
        %parallel_loop3A_246 = vector.shape_cast %parallel_loop3A_245 : vector<1x16xf32> to vector<16xf32>
        %parallel_loop3A_247 = arith.index_cast %parallel_loop3A_190 : i32 to index
        %parallel_loop3A_248 = arith.constant 64 : index
        %parallel_loop3A_249 = tpu.vector_load %arg15[%parallel_loop3A_247, %parallel_loop3A_248] {strides = array<i32>} : memref<32x128xf32, #tpu.memory_space<vmem>>, vector<1x16xf32>,
        %parallel_loop3A_250 = vector.shape_cast %parallel_loop3A_249 : vector<1x16xf32> to vector<16xf32>
        %parallel_loop3A_251 = arith.subf %parallel_loop3A_246, %parallel_loop3A_250 : vector<16xf32>
        %parallel_loop3A_252 = arith.mulf %parallel_loop3A_251, %parallel_loop3A_251 : vector<16xf32>
        %parallel_loop3A_253 = arith.addf %parallel_loop3A_195, %parallel_loop3A_252 : vector<16xf32>
        %parallel_loop3A_254 = arith.index_cast %parallel_loop3A_190 : i32 to index
        %parallel_loop3A_255 = arith.constant 80 : index
        %parallel_loop3A_256 = tpu.vector_load %arg11[%parallel_loop3A_254, %parallel_loop3A_255] {strides = array<i32>} : memref<32x128xf32, #tpu.memory_space<vmem>>, vector<1x16xf32>,
        %parallel_loop3A_257 = vector.shape_cast %parallel_loop3A_256 : vector<1x16xf32> to vector<16xf32>
        %parallel_loop3A_258 = arith.index_cast %parallel_loop3A_190 : i32 to index
        %parallel_loop3A_259 = arith.constant 80 : index
        %parallel_loop3A_260 = tpu.vector_load %arg15[%parallel_loop3A_258, %parallel_loop3A_259] {strides = array<i32>} : memref<32x128xf32, #tpu.memory_space<vmem>>, vector<1x16xf32>,
        %parallel_loop3A_261 = vector.shape_cast %parallel_loop3A_260 : vector<1x16xf32> to vector<16xf32>
        %parallel_loop3A_262 = arith.subf %parallel_loop3A_257, %parallel_loop3A_261 : vector<16xf32>
        %parallel_loop3A_263 = arith.mulf %parallel_loop3A_262, %parallel_loop3A_262 : vector<16xf32>
        %parallel_loop3A_264 = arith.addf %parallel_loop3A_196, %parallel_loop3A_263 : vector<16xf32>
        %parallel_loop3A_265 = arith.index_cast %parallel_loop3A_190 : i32 to index
        %parallel_loop3A_266 = arith.constant 96 : index
        %parallel_loop3A_267 = tpu.vector_load %arg11[%parallel_loop3A_265, %parallel_loop3A_266] {strides = array<i32>} : memref<32x128xf32, #tpu.memory_space<vmem>>, vector<1x16xf32>,
        %parallel_loop3A_268 = vector.shape_cast %parallel_loop3A_267 : vector<1x16xf32> to vector<16xf32>
        %parallel_loop3A_269 = arith.index_cast %parallel_loop3A_190 : i32 to index
        %parallel_loop3A_270 = arith.constant 96 : index
        %parallel_loop3A_271 = tpu.vector_load %arg15[%parallel_loop3A_269, %parallel_loop3A_270] {strides = array<i32>} : memref<32x128xf32, #tpu.memory_space<vmem>>, vector<1x16xf32>,
        %parallel_loop3A_272 = vector.shape_cast %parallel_loop3A_271 : vector<1x16xf32> to vector<16xf32>
        %parallel_loop3A_273 = arith.subf %parallel_loop3A_268, %parallel_loop3A_272 : vector<16xf32>
        %parallel_loop3A_274 = arith.mulf %parallel_loop3A_273, %parallel_loop3A_273 : vector<16xf32>
        %parallel_loop3A_275 = arith.addf %parallel_loop3A_197, %parallel_loop3A_274 : vector<16xf32>
        %parallel_loop3A_276 = arith.index_cast %parallel_loop3A_190 : i32 to index
        %parallel_loop3A_277 = arith.constant 112 : index
        %parallel_loop3A_278 = tpu.vector_load %arg11[%parallel_loop3A_276, %parallel_loop3A_277] {strides = array<i32>} : memref<32x128xf32, #tpu.memory_space<vmem>>, vector<1x16xf32>,
        %parallel_loop3A_279 = vector.shape_cast %parallel_loop3A_278 : vector<1x16xf32> to vector<16xf32>
        %parallel_loop3A_280 = arith.index_cast %parallel_loop3A_190 : i32 to index
        %parallel_loop3A_281 = arith.constant 112 : index
        %parallel_loop3A_282 = tpu.vector_load %arg15[%parallel_loop3A_280, %parallel_loop3A_281] {strides = array<i32>} : memref<32x128xf32, #tpu.memory_space<vmem>>, vector<1x16xf32>,
        %parallel_loop3A_283 = vector.shape_cast %parallel_loop3A_282 : vector<1x16xf32> to vector<16xf32>
        %parallel_loop3A_284 = arith.subf %parallel_loop3A_279, %parallel_loop3A_283 : vector<16xf32>
        %parallel_loop3A_285 = arith.mulf %parallel_loop3A_284, %parallel_loop3A_284 : vector<16xf32>
        %parallel_loop3A_286 = arith.addf %parallel_loop3A_198, %parallel_loop3A_285 : vector<16xf32>
        scf.yield %parallel_loop3A_209, %parallel_loop3A_220, %parallel_loop3A_231, %parallel_loop3A_242, %parallel_loop3A_253, %parallel_loop3A_264, %parallel_loop3A_275, %parallel_loop3A_286 : vector<16xf32>, vector<16xf32>, vector<16xf32>, vector<16xf32>, vector<16xf32>, vector<16xf32>, vector<16xf32>, vector<16xf32>
      } {sc.loop_unroll_factor = 1 : i64, sc.parallel_access}
      %add3A_181 = arith.constant 3 : i32
      %add3A_182 = arith.addi %add3A_94, %add3A_181 : i32
      %add3A_183 = arith.constant 4 : i32
      %add3A_184 = arith.addi %add3A_182, %add3A_183 : i32
      %lt3A_185 = arith.constant 16 : i32
      %lt3A_186 = arith.cmpi slt, %add3A_184, %lt3A_185 : i32
      %convert_element_type3A_187 = arith.extui %lt3A_186 : i1 to i32
      %cond3A_188 = arith.constant 0 : i32
      %cond3A_189 = arith.cmpi ne, %convert_element_type3A_187, %cond3A_188 : i32
      scf.if %cond3A_189 {
        %mul3A_190 = arith.constant 32 : i32
        %mul3A_191 = arith.muli %add3A_184, %mul3A_190 : i32
        %multiple_of3A_192 = tpu.assume_multiple %mul3A_191, 8 : i32
        %dma_start3A_193 = tpu.memref_slice %arg6[%multiple_of3A_192] : memref<512xi32, #tpu.memory_space<vmem>> -> memref<32xi32, #tpu.memory_space<vmem>>
        %dma_start3A_194 = arith.constant 0 : i32
        %dma_start3A_195 = arith.constant 0 : i32
        %dma_start3A_196 = tpu.memref_slice %arg4[%dma_start3A_194, %dma_start3A_195] : memref<100000x128xf32, #tpu.memory_space<hbm>> -> memref<100000x128xf32, #tpu.memory_space<hbm>>
        tpu.enqueue_indirect_dma source(%dma_start3A_196 : memref<100000x128xf32, #tpu.memory_space<hbm>>) target(%arg15 : memref<32x128xf32, #tpu.memory_space<vmem>>) offsets(%dma_start3A_193 : memref<32xi32, #tpu.memory_space<vmem>>) semaphore(%arg19 : memref<!tpu.dma_semaphore, #tpu.memory_space<semaphore_mem>>)
        %mul3A_197 = arith.constant 32 : i32
        %mul3A_198 = arith.muli %add3A_184, %mul3A_197 : i32
        %add3A_199 = arith.addi %mul3A_2, %mul3A_198 : i32
        %dma_start3A_200 = arith.constant 0 : i32
        %dma_start3A_201 = tpu.memref_slice %arg2[%add3A_199, %dma_start3A_200] : memref<16384x128xf32, #tpu.memory_space<hbm>> -> memref<32x128xf32, #tpu.memory_space<hbm>>
        %dma_start3A_202 = arith.constant 0 : i32
        %dma_start3A_203 = tpu.memref_slice %arg2[%add3A_199, %dma_start3A_202] : memref<16384x128xf32, #tpu.memory_space<hbm>> -> memref<32x128xf32, #tpu.memory_space<hbm>>
        tpu.enqueue_dma source(%dma_start3A_203 : memref<32x128xf32, #tpu.memory_space<hbm>>) target(%arg11 : memref<32x128xf32, #tpu.memory_space<vmem>>) target_semaphore(%arg23 : memref<!tpu.dma_semaphore, #tpu.memory_space<semaphore_mem>>)
      } else {
      }
      scf.yield %parallel_loop3A_180#0, %parallel_loop3A_180#1, %parallel_loop3A_180#2, %parallel_loop3A_180#3, %parallel_loop3A_180#4, %parallel_loop3A_180#5, %parallel_loop3A_180#6, %parallel_loop3A_180#7 : vector<16xf32>, vector<16xf32>, vector<16xf32>, vector<16xf32>, vector<16xf32>, vector<16xf32>, vector<16xf32>, vector<16xf32>
    }
    %scan3A_68 = arith.constant 4 : i32
    %add3A_69 = arith.addf %scan3A_67#0, %scan3A_67#1 : vector<16xf32>
    %add3A_70 = arith.addf %add3A_69, %scan3A_67#2 : vector<16xf32>
    %add3A_71 = arith.addf %add3A_70, %scan3A_67#3 : vector<16xf32>
    %add3A_72 = arith.addf %add3A_71, %scan3A_67#4 : vector<16xf32>
    %add3A_73 = arith.addf %add3A_72, %scan3A_67#5 : vector<16xf32>
    %add3A_74 = arith.addf %add3A_73, %scan3A_67#6 : vector<16xf32>
    %add3A_75 = arith.addf %add3A_74, %scan3A_67#7 : vector<16xf32>
    %mul3A_76 = arith.constant 4.76837181E-10 : f32
    %mul3A_77 = vector.broadcast %mul3A_76 : f32 to vector<16xf32>
    %mul3A_78 = arith.mulf %add3A_75, %mul3A_77 : vector<16xf32>
    %swap3A = arith.constant 0 : index
    %swap3A_79 = tpu.vector_load %arg7[%swap3A] {strides = array<i32>} : memref<16xf32, #tpu.memory_space<vmem>>, vector<16xf32>,
    %swap3A_80 = vector.shape_cast %swap3A_79 : vector<16xf32> to vector<16xf32>
    %swap3A_81 = vector.shape_cast %mul3A_78 : vector<16xf32> to vector<16xf32>
    tpu.vector_store %arg7[%swap3A], %swap3A_81 {strides = array<i32>} : memref<16xf32, #tpu.memory_space<vmem>>, vector<16xf32>,
    "tpu.region"() ({
      %run_scoped3A = tpu.sem_alloc : memref<!tpu.dma_semaphore, #tpu.memory_space<semaphore_mem>>
      %dma_start3A_82 = arith.constant 0 : i32
      %dma_start3A_83 = tpu.memref_slice %arg5[%add3A, %dma_start3A_82] : memref<32x16xf32, #tpu.memory_space<hbm>> -> memref<1x16xf32, #tpu.memory_space<hbm>>
      %dma_start3A_84 = tpu.memref_squeeze %dma_start3A_83 : memref<1x16xf32, #tpu.memory_space<hbm>> -> memref<16xf32, #tpu.memory_space<hbm>>
      %dma_start3A_85 = arith.constant 0 : i32
      %dma_start3A_86 = tpu.memref_slice %arg5[%add3A, %dma_start3A_85] : memref<32x16xf32, #tpu.memory_space<hbm>> -> memref<1x16xf32, #tpu.memory_space<hbm>>
      %dma_start3A_87 = tpu.memref_squeeze %dma_start3A_86 : memref<1x16xf32, #tpu.memory_space<hbm>> -> memref<16xf32, #tpu.memory_space<hbm>>
      tpu.enqueue_dma source(%arg7 : memref<16xf32, #tpu.memory_space<vmem>>) target(%dma_start3A_87 : memref<16xf32, #tpu.memory_space<hbm>>) target_semaphore(%run_scoped3A : memref<!tpu.dma_semaphore, #tpu.memory_space<semaphore_mem>>)
      %dma_wait3A = arith.constant 0 : i32
      %dma_wait3A_88 = tpu.memref_slice %arg5[%add3A, %dma_wait3A] : memref<32x16xf32, #tpu.memory_space<hbm>> -> memref<1x16xf32, #tpu.memory_space<hbm>>
      %dma_wait3A_89 = tpu.memref_squeeze %dma_wait3A_88 : memref<1x16xf32, #tpu.memory_space<hbm>> -> memref<16xf32, #tpu.memory_space<hbm>>
      %dma_wait3A_90 = arith.constant 0 : i32
      %dma_wait3A_91 = tpu.memref_slice %arg5[%add3A, %dma_wait3A_90] : memref<32x16xf32, #tpu.memory_space<hbm>> -> memref<1x16xf32, #tpu.memory_space<hbm>>
      %dma_wait3A_92 = tpu.memref_squeeze %dma_wait3A_91 : memref<1x16xf32, #tpu.memory_space<hbm>> -> memref<16xf32, #tpu.memory_space<hbm>>
      tpu.wait_dma2 semaphore(%run_scoped3A : memref<!tpu.dma_semaphore, #tpu.memory_space<semaphore_mem>>) src(%arg7 : memref<16xf32, #tpu.memory_space<vmem>>) dst(%dma_wait3A_92 : memref<16xf32, #tpu.memory_space<hbm>>)
      tpu.yield
    }) : () -> ()
    return
  }
}

</mosaic_0001>

<sc_bundles>
// kernel: _center_loss_sc.3.cloned.1.call-start
scs
__scs_entry_jumppad:
0x0: {  	(pc) =	sbr.rel $0x88, $3  }
0x1: {  	(tag) =	ssettag $0x0;
	lr =	simm.s32 $0x1  }
0x2: {  	[smem:$0x3F9E] =	sst lr;
	_ =	strace $0xD0000000  }
0x3: {  	_ = 	snop  }
0x4: {  	_ = 	snop  }
0x5: {  	_ = 	snop  }
0x6: {  	_ = 	snop  }
0x7: {  	_ = 	snop  }
__scs_overlays_trampoline_lowered:
0x8: {  	[smem:$0x3FAD] =	sst s0  }
0x9: {  	[smem:$0x3FAE] =	sst s1  }
0xa: {  	[smem:$0x3FAF] =	sst s2  }
0xb: {  	[smem:$0x3FB0] =	sst s3  }
0xc: {  	[smem:$0x3FB1] =	sst s4  }
0xd: {  	[smem:$0x3FB2] =	sst s5  }
0xe: {  	[smem:$0x3FB3] =	sst s6  }
0xf: {  	[smem:$0x3FB4] =	sst s7  }
0x10: {  	[smem:$0x3FB5] =	sst s8  }
0x11: {  	[smem:$0x3FB6] =	sst s9;
	s0 =	simm.s32 @!p0 $0x0  }
0x12: {  	s1 =	sld [smem:$0x3F9C];
	s0 =	simm.s32 @p0 $0x1  }
0x13: {  	[smem:$0x3FB7] =	sst s0;
	s0 =	simm.s32 @!p1 $0x0  }
0x14: {  	s2 =	sld [smem:$0x3F9B];
	s0 =	simm.s32 @p1 $0x1  }
0x15: {  	[smem:$0x3FB8] =	sst s0;
	s0 =	simm.s32 @!p2 $0x0  }
0x16: {  	s3 =	sld [smem:$0x3FDB];
	s0 =	simm.s32 @p2 $0x1  }
0x17: {  	s4 =	simm.s32 $0x1BF5;
	[smem:$0x3FBA] =	sst s0  }
0x18: {  	s0 =	sld [smem:$0x3F9D];
	_ =	swait.ge [sflag:s4], $0x0  }
0x19: {  	s7 =	sld [smem:$0x3F9E]  }
0x1a: {  	s8 =	sadd.s32 $0xFFFFE003, lr  }
0x1b: {  	s9 =	sadd.s32 $0xFFFFFEF7, lr;
	s5 =	simm.s32 $0xFFFFFFFF;
	p2 =	slt.u32 s8, $0xFFFFF086  }
0x1c: {  	p1 =	slt.u32 s9, $0xF7A;
	s5 =	simm.s32 @!p2 $0x0  }
0x1d: {  	s5 =	simm.s32 @p1 $0x1;
	p0 =	seq.s32 s7, s2  }
0x1e: {  	s7 =	smul.u32 @!p0 $0xF7A, s2;
	p2 =	seq.s32 @!p0 s5, $0x0  }
0x1f: {  	s9 =	smul.u32 $0xF7A, s1;
	s8 =	simm.s32 @!p0 $0x1BF5;
	p2 =	por !p2, p0  }
0x20: {  	[sflag:s8] =	ssyncset.s32 @!p0 $0xFFFFF086;
	s6 =	sadd.s32 @!p0 s3, s7;
	s7 =	simm.s32 @!p0 $0x108  }
0x21: {  	s3 =	sadd.s32 s3, s9;
	s6 =	sadd.s32 @!p0 $0x88, s6;
	s7 =	simm.s32 @p2 $0x1082  }
0x22: {  	[simem:s7], [sflag:s8] =	dma.local @!p0 [hbm:s6], $0xF7A  }
0x23: {  	s9 =	sor.u32 $0xD0000000, s2;
	s6 =	simm.s32 $0x108;
	_ =	swait.ge @!p0 [sflag:s8], $0x0  }
0x24: {  	s3 =	sadd.s32 $0x88, s3;
	s6 =	simm.s32 @!p1 $0x1082;
	[sflag:s4] =	ssyncset.s32 $0xFFFFF086  }
0x25: {  	[simem:s6], [sflag:s4] =	dma.local [hbm:s3], $0xF7A  }
0x26: {  	[smem:$0x3F9E] =	sst s1;
	(tag) =	ssettag s2;
	_ =	strace s9  }
0x27: {  	s1 =	sld [smem:$0x3FAE]  }
0x28: {  	s2 =	sld [smem:$0x3FAF]  }
0x29: {  	s4 =	sld [smem:$0x3FB1]  }
0x2a: {  	p0 =	seq.s32 s5, $0x0;
	s5 =	sld [smem:$0x3FB2]  }
0x2b: {  	s6 =	sld [smem:$0x3FB3]  }
0x2c: {  	s7 =	sld [smem:$0x3FB4]  }
0x2d: {  	s3 =	simm.s32 $0x108;
	s8 =	sld [smem:$0x3FB5]  }
0x2e: {  	s3 =	simm.s32 @!p0 $0x1082;
	s9 =	sld [smem:$0x3FB6]  }
0x2f: {  	lr =	sadd.s32 s0, s3;
	s0 =	sld [smem:$0x3FAD]  }
0x30: {  	s3 =	sld [smem:$0x3FB0]  }
0x31: {  	[smem:$0x3FB9] =	sst s10  }
0x32: {  	s10 =	sld [smem:$0x3FB7];
	_ =	sdelay $0x3  }
0x33: {  	p0 =	seq.s32 s10, $0x1;
	s10 =	sld [smem:$0x3FB9];
	_ =	sdelay $0x3  }
0x34: {  	[smem:$0x3FB9] =	sst s10  }
0x35: {  	s10 =	sld [smem:$0x3FB8];
	_ =	sdelay $0x3  }
0x36: {  	p1 =	seq.s32 s10, $0x1;
	s10 =	sld [smem:$0x3FB9];
	_ =	sdelay $0x3  }
0x37: {  	[smem:$0x3FB9] =	sst s10  }
0x38: {  	s10 =	sld [smem:$0x3FBA]  }
0x39: {  	_ = 	snop;
	(pc) =	sbr.ind lr, $3  }
0x3a: {  	_ = 	snop  }
0x3b: {  	_ = 	snop  }
0x3c: {  	p2 =	seq.s32 s10, $0x1;
	s10 =	sld [smem:$0x3FB9]  }
0x3d: {  	_ =	shalt  }
0x3e: {  	_ =	shalt  }
0x3f: {  	_ =	shalt  }
0x40: {  	_ =	shalt  }
0x41: {  	_ =	shalt  }
0x42: {  	_ =	shalt  }
0x43: {  	_ =	shalt  }
0x44: {  	_ =	shalt  }
0x45: {  	_ =	shalt  }
0x46: {  	_ =	shalt  }
0x47: {  	_ =	shalt  }
0x48: {  	_ =	shalt  }
0x49: {  	_ =	shalt  }
0x4a: {  	_ =	shalt  }
0x4b: {  	_ =	shalt  }
0x4c: {  	_ =	shalt  }
0x4d: {  	_ =	shalt  }
0x4e: {  	_ =	shalt  }
0x4f: {  	_ =	shalt  }
0x50: {  	_ =	shalt  }
0x51: {  	_ =	shalt  }
0x52: {  	_ =	shalt  }
0x53: {  	_ =	shalt  }
0x54: {  	_ =	shalt  }
0x55: {  	_ =	shalt  }
0x56: {  	_ =	shalt  }
0x57: {  	_ =	shalt  }
0x58: {  	_ =	shalt  }
0x59: {  	_ =	shalt  }
0x5a: {  	_ =	shalt  }
0x5b: {  	_ =	shalt  }
0x5c: {  	_ =	shalt  }
0x5d: {  	_ =	shalt  }
0x5e: {  	_ =	shalt  }
0x5f: {  	_ =	shalt  }
0x60: {  	_ =	shalt  }
0x61: {  	_ =	shalt  }
0x62: {  	_ =	shalt  }
0x63: {  	_ =	shalt  }
0x64: {  	_ =	shalt  }
0x65: {  	_ =	shalt  }
0x66: {  	_ =	shalt  }
0x67: {  	_ =	shalt  }
0x68: {  	_ =	shalt  }
0x69: {  	_ =	shalt  }
0x6a: {  	_ =	shalt  }
0x6b: {  	_ =	shalt  }
0x6c: {  	_ =	shalt  }
0x6d: {  	_ =	shalt  }
0x6e: {  	_ =	shalt  }
0x6f: {  	_ =	shalt  }
0x70: {  	_ =	shalt  }
0x71: {  	_ =	shalt  }
0x72: {  	_ =	shalt  }
0x73: {  	_ =	shalt  }
0x74: {  	_ =	shalt  }
0x75: {  	_ =	shalt  }
0x76: {  	_ =	shalt  }
0x77: {  	_ =	shalt  }
0x78: {  	_ =	shalt  }
0x79: {  	_ =	shalt  }
0x7a: {  	_ =	shalt  }
0x7b: {  	_ =	shalt  }
0x7c: {  	_ =	shalt  }
0x7d: {  	_ =	shalt  }
0x7e: {  	_ =	shalt  }
0x7f: {  	_ =	shalt  }
0x80: {  	_ =	shalt  }
0x81: {  	_ =	shalt  }
0x82: {  	_ =	shalt  }
0x83: {  	_ =	shalt  }
0x84: {  	_ =	shalt  }
0x85: {  	_ =	shalt  }
0x86: {  	_ =	shalt  }
0x87: {  	_ =	shalt  }
.Lfunc_end0:
.L_simem_size_0:
called_computation_lowered:
.L_overlay_start_0:
0x88: {  	s2 =	sld [smem:$0x3FD9]  }
0x89: {  	s3 =	sld [smem:$0x3FFE];
	_ =	sdelay $0x1  }
0x8a: {  	s1 =	srdreg.scid  }
0x8b: {  	s0 =	sand.u32 $0x1, s1  }
0x8c: {  	s17 =	sshll.u32 s0, $0xA;
	s2 =	sadd.s32 s3, s2  }
0x8d: {  	s2 =	sadd.s32 s2, s17  }
0x8e: {  	[smem:$0x3FC5] =	sst s2  }
0x8f: {  	_ = 	snop  }
0x90: {  	s2 =	sld [smem:$0x3FC9]  }
0x91: {  	s18 =	sld [smem:$0x3FC8]  }
0x92: {  	s4 =	sld [smem:$0x3FC7];
	(tm) =	ssettm $0x1  }
0x93: {  	s5 =	sld [smem:$0x3FFB];
	_ =	sdelay $0x3  }
0x94: {  	_ =	strace s5  }
0x95: {  	s5 =	sld [smem:$0x3FFC];
	_ =	sdelay $0x3  }
0x96: {  	_ =	strace s5  }
0x97: {  	s5 =	sld [smem:$0x3FFD];
	_ =	sdelay $0x3  }
0x98: {  	_ =	strace s5  }
0x99: {  	_ =	strace $0x8FFFFFFF  }
0x9a: {  	s19 =	sld [smem:$0x3FDB];
	_ =	sdelay $0x1  }
0x9b: {  	s6 =	simm.s32 $_scs_section_size  }
0x9c: {  	s7 =	simm.s32 $_size__tile_overlayer_lowered;
	s8 =	simm.s32 $_tile_overlayer_lowered  }
0x9d: {  	s22 =	simm.s32 $0x1BFF;
	s21 =	sshll.u32 s8, $0x1;
	s5 =	sadd.s32 s6, s19  }
0x9e: {  	s9 =	simm.s32 $0x0;
	s20 =	sshll.u32 s7, $0x1;
	s7 =	sadd.s32 s21, s5  }
0x9f: {  	[timem:s9], [sflag:s22] =	dma.local [hbm:s7], s20  }
0xa0: {  	_ =	swait.ge [sflag:s22], s20  }
0xa1: {  	s6 =	ssub.s32 $0x0, s20;
	[sflag:s22] =	ssyncset.done $0x0  }
0xa2: {  	[sflag:s22] =	ssyncadd.s32 s6;
	_ =	sdelay $0x1  }
0xa3: {  	s23 =	simm.s32 $0x1B8B  }
0xa4: {  	_ =	swait.ge [sflag:s23], $0x1  }
0xa5: {  	[sflag:s23] =	ssyncset.done $0x0  }
0xa6: {  	s25 =	simm.s32 $0x1B8E;
	s24 =	sld [smem:$0x3FFE];
	[sflag:s23] =	ssyncadd.s32 $0xFFFFFFFF  }
0xa7: {  	s26 =	simm.s32 $execute0_lowered;
	[smem:$0x3FD2] =	sst s25  }
0xa8: {  	s7 =	sshll.u32 s26, $0x1;
	_ =	strace $0x80000046;
	[dreg:$0x1] =	wrdreg $0xFFFFFFFF  }
0xa9: {  	s28 =	simm.s32 $_size_execute0_lowered;
	s5 =	sadd.s32 s5, s7;
	[dreg:$0x0] =	wrdreg $0x0  }
0xaa: {  	s7 =	sshll.u32 s28, $0x1;
	[dreg:$0x2] =	wrdreg s5  }
0xab: {  	[dreg:$0x3] =	wrdreg s7  }
0xac: {  	[dreg:$0x4] =	wrdreg $0xC0  }
0xad: {  	_ =	task [dreg:s9], $0x5FFFF  }
0xae: {  	[dreg:$0x1] =	wrdreg $0xFFFFFFFF  }
0xaf: {  	[dreg:$0x0] =	wrdreg $0x60  }
0xb0: {  	[dreg:$0x2] =	wrdreg s2  }
0xb1: {  	[dreg:$0x3] =	wrdreg s18  }
0xb2: {  	[dreg:$0x4] =	wrdreg s4  }
0xb3: {  	[dreg:$0x5] =	wrdreg s24  }
0xb4: {  	[dreg:$0x6] =	wrdreg $0x9  }
0xb5: {  	_ =	task.clear_ibuf [dreg:s9], $0x7FFFF;
	_ =	strace $0x90000046  }
0xb6: {  	s29 =	simm.s32 $0x9;
	_ =	strace $0x80000048  }
0xb7: {  	_ =	swait.ge [sflag:s29], $0x1  }
0xb8: {  	[sflag:s29] =	ssyncadd.s32 $0xFFFFFFFF  }
0xb9: {  	_ =	strace $0x90000048  }
0xba: {  	_ =	sfence  }
0xbb: {  	s30 =	sld [smem:$0x0];
	_ =	sdelay $0x2  }
0xbc: {  	s31 =	sshll.u32 s1, $0xD;
	s1 =	sshrl.u32 s1, $0x2  }
0xbd: {  	s3 =	sand.u32 $0x4000, s31;
	s1 =	sadd.s32 s1, s30  }
0xbe: {  	s0 =	sor.u32 s3, s0;
	s1 =	sshll.u32 s1, $0x11  }
0xbf: {  	s0 =	sor.u32 s1, s0  }
0xc0: {  	s0 =	sadd.s32 $0x8F2B, s0  }
0xc1: {  	[sflag:s0] =	ssyncadd.remote.s32 $0x1  }
0xc2: {  	_ =	sfence.sel $0xFFFF  }
0xc3: {  	[dreg:$0x0] =	wrdreg $0xFFFFFFFF;
	(pc) =	sbr.abs _section_cstart, $3  }
0xc4: {  	[dreg:$0x1] =	wrdreg $0xFFFFFFFF  }
0xc5: {  	_ =	task.clear_ibuf [dreg:s9], $0x2FFFF;
	_ =	strace $0x9FFFFFFF  }
0xc6: {  	(tm) =	ssettm $0x7FFFFFFF  }
0xc7: {  	_ =	shalt  }
tec
execute0_lowered:
.L_overlay_start_1:
0x0: {  	(tag) =	ssettag $0x1  }
0x1: {  	s1 =	rddreg [dreg:$0x0]  }
0x2: {  	s0 =	rddreg [dreg:$0x1]  }
0x3: {  	s3 =	rddreg [dreg:$0x2]  }
0x4: {  	s2 =	rddreg [dreg:$0x3]  }
0x5: {  	s5 =	srdreg.scid;
	s6 =	stileid.u32  }
0x6: {  	s4 =	simm.s32 $0x0;
	s13 =	simm.s32 $0x9;
	s14 =	simm.s32 $0x20  }
0x7: {  	s22 =	simm.s32 $0x60;
	s23 =	simm.s32 $0x7280;
	s28 =	simm.s32 $0x2  }
0x8: {  	s29 =	simm.s32 $0x6;
	s30 =	simm.s32 $0x3;
	s31 =	simm.s32 $0x7  }
0x9: {  	s15 =	simm.s32 $0x200;
	s16 =	simm.s32 $0x0;
	s5 =	sand.u32 $0x1, s5  }
0xa: {  	s6 =	sshll.u32 s6, $0x1;
	[smem:$0x7FF] =	sst s4;
	s7 =	ssub.s32 $0x2, s5  }
0xb: {  	s11 =	sor.u32 s5, s6;
	_ =	strace $0x80000047;
	s24 =	sshrl.u32 s7, $0x1  }
0xc: {  	s6 =	sshll.u32 s11, $0xD;
	s25 =	sshll.u32 s11, $0x6;
	s26 =	sshll.u32 s11, $0x4  }
.Ltmp0:
0xd: {  	s12 =	ssub.s32 s7, s24;
	s5 =	sadd.s32 s1, s6;
	(pc) =	sbr.rel .LBB2_1-.Ltmp0, $4  }
0xe: {  	s6 =	sshll.u32 s11, $0x9;
	s7 =	sadd.s32 s0, s25;
	s11 =	sadd.s32 s2, s26  }
0xf: {  	s24 =	simm.s32 $0x3280;
	s25 =	simm.s32 $0x1;
	s26 =	simm.s32 $0x5  }
0x10: {  	s0 =	simm.s32 $0x4;
	s2 =	simm.s32 $0x8;
	s8 =	sadd.s32 $0x200, s5  }
0x11: {  	s9 =	sadd.s32 $0x400, s5;
	s10 =	sadd.s32 $0x600, s5;
	s12 =	smax.u32 s12, $0x1  }
.LBB2_12:
0x12: {  	v4 =	vadd.f32 v10, v6;
	_ =	sdelay $0x1  }
0x13: {  	v4 =	vadd.f32 v7, v4;
	_ =	sdelay $0x1  }
0x14: {  	v3 =	vadd.f32 v3, v4;
	_ =	sdelay $0x1  }
0x15: {  	v2 =	vadd.f32 v2, v3;
	_ =	sdelay $0x1  }
0x16: {  	v1 =	vadd.f32 v1, v2;
	_ =	sdelay $0x1  }
0x17: {  	v0 =	vadd.f32 v0, v1;
	_ =	sdelay $0x1  }
0x18: {  	v0 =	vadd.f32 v5, v0;
	_ =	sdelay $0x1  }
0x19: {  	s16 =	sadd.s32 $0x1, s16;
	v0 =	vmul.f32 $4.768371810e-10, v0  }
0x1a: {  	p0 =	sne.s32 s16, s12  }
.Ltmp1:
0x1b: {  	[tilespmem:$0x200] =	vst v0;
	(pc) =	sbr.rel @!p0 .LBB2_13-.Ltmp1, $4  }
0x1c: {  	[hbm4b:s11+s4] =	stream.linear.scatter [tilespmem:s15], [sflag:$0x9], $0x80, $0x38;
	[tilespmem:$0x8280] =	vst v63  }
0x1d: {  	_ =	swait.ge [sflag:s13], $0x80  }
0x1e: {  	[sflag:s13] =	ssyncset.done $0x0  }
0x1f: {  	[sflag:s13] =	ssyncadd.s32 $0xFFFFFF80  }
.LBB2_1:
0x20: {  	[tilespmem:s4], [sflag:$0x9] =	stream.linear.gather [hbm4b:s7+s4], $0x200, $0x38;
	[tilespmem:$0x8280] =	vst v63  }
0x21: {  	_ =	swait.ge [sflag:s13], $0x200  }
0x22: {  	[sflag:s13] =	ssyncset.done $0x0  }
0x23: {  	s17 =	simm.s32 $0x4280;
	[sflag:s13] =	ssyncadd.s32 $0xFFFFFE00  }
0x24: {  	[tilespmem:s17], [sflag:$0x1] =	stream.indirect.gather [hbm4b:s3+s14], $0x80, s4, s14, $0xb8;
	[tilespmem:$0x8280] =	vst v63  }
0x25: {  	s21 =	simm.s32 $0x280  }
0x26: {  	[tilespmem:s21], [sflag:$0x5] =	stream.linear.gather [hbm4b:s5+s4], $0x1000, $0x38;
	[tilespmem:$0x8280] =	vst v63  }
0x27: {  	s18 =	simm.s32 $0x5280  }
0x28: {  	[tilespmem:s18], [sflag:$0x2] =	stream.indirect.gather [hbm4b:s3+s14], $0x80, s14, s14, $0xb8;
	[tilespmem:$0x8280] =	vst v63  }
0x29: {  	s19 =	simm.s32 $0x1280  }
0x2a: {  	[tilespmem:s19], [sflag:$0x6] =	stream.linear.gather [hbm4b:s8+s4], $0x1000, $0x38;
	[tilespmem:$0x8280] =	vst v63  }
0x2b: {  	s20 =	simm.s32 $0x40;
	s18 =	simm.s32 $0x6280  }
0x2c: {  	[tilespmem:s18], [sflag:$0x3] =	stream.indirect.gather [hbm4b:s3+s14], $0x80, s20, s14, $0xb8;
	[tilespmem:$0x8280] =	vst v63  }
0x2d: {  	s21 =	simm.s32 $0x2280  }
0x2e: {  	[tilespmem:s21], [sflag:$0x7] =	stream.linear.gather [hbm4b:s9+s4], $0x1000, $0x38;
	[tilespmem:$0x8280] =	vst v63  }
0x2f: {  	_ = 	snop  }
0x30: {  	v5 =	vimm.f32 $0.0e+00;
	v0 =	vimm.f32 $0.0e+00;
	[tilespmem:s23], [sflag:$0x4] =	stream.indirect.gather [hbm4b:s3+s14], $0x80, s22, s14, $0xb8;
	[tilespmem:$0x8280] =	vst v63  }
0x31: {  	v1 =	vimm.f32 $0.0e+00;
	v2 =	vimm.f32 $0.0e+00;
	v3 =	vimm.f32 $0.0e+00;
	s17 =	simm.s32 $0x0  }
0x32: {  	v7 =	vimm.f32 $0.0e+00;
	v10 =	vimm.f32 $0.0e+00;
	v6 =	vimm.f32 $0.0e+00;
	[tilespmem:s24], [sflag:$0x8] =	stream.linear.gather [hbm4b:s10+s4], $0x1000, $0x38;
	[tilespmem:$0x8280] =	vst v63  }
.LBB2_2:
0x33: {  	_ =	swait.ge [sflag:s25], $0x1000  }
0x34: {  	[sflag:s25] =	ssyncset.done $0x0  }
0x35: {  	[sflag:s25] =	ssyncadd.s32 $0xFFFFF000  }
0x36: {  	_ =	swait.ge [sflag:s26], $0x1000  }
0x37: {  	[sflag:s26] =	ssyncset.done $0x0  }
0x38: {  	s18 =	simm.s32 $0x0;
	[sflag:s26] =	ssyncadd.s32 $0xFFFFF000  }
0x39: {  	v4 =	vld [tilespmem:s18+$0x2F0]  }
0x3a: {  	v8 =	vld [tilespmem:s18+$0x42F0]  }
0x3b: {  	v9 =	vld [tilespmem:s18+$0x280]  }
0x3c: {  	v11 =	vld [tilespmem:s18+$0x4280]  }
0x3d: {  	v12 =	vld [tilespmem:s18+$0x290]  }
0x3e: {  	v13 =	vld [tilespmem:s18+$0x4290]  }
0x3f: {  	v14 =	vld [tilespmem:s18+$0x2A0]  }
0x40: {  	v15 =	vld [tilespmem:s18+$0x42A0]  }
0x41: {  	v16 =	vld [tilespmem:s18+$0x2B0]  }
0x42: {  	v17 =	vld [tilespmem:s18+$0x42B0]  }
0x43: {  	v18 =	vld [tilespmem:s18+$0x2C0];
	v4 =	vsub.f32 v4, v8  }
0x44: {  	v19 =	vld [tilespmem:s18+$0x42C0];
	v9 =	vsub.f32 v9, v11;
	v11 =	vsub.f32 v12, v13  }
0x45: {  	v12 =	vsub.f32 v14, v15;
	v8 =	vld [tilespmem:s18+$0x2D0];
	v4 =	vmul.f32 v4, v4  }
0x46: {  	v13 =	vmul.f32 v9, v9;
	v14 =	vmul.f32 v11, v11;
	v11 =	vld [tilespmem:s18+$0x42D0]  }
0x47: {  	v16 =	vsub.f32 v16, v17;
	v15 =	vmul.f32 v12, v12;
	v9 =	vld [tilespmem:s18+$0x2E0];
	v4 =	vadd.f32 v4, v5  }
0x48: {  	s19 =	simm.s32 $0x80;
	v12 =	vld [tilespmem:s18+$0x42E0];
	v5 =	vadd.f32 v13, v6;
	v6 =	vadd.f32 v14, v10  }
0x49: {  	s18 =	simm.s32 $0x400;
	v10 =	vld [tilespmem:s19+$0x2F0];
	v7 =	vadd.f32 v15, v7;
	v13 =	vmul.f32 v16, v16;
	v14 =	vsub.f32 v18, v19  }
.LBB2_3:
0x4a: {  	p0 =	sne.s32 s18, $0x3E00;
	v15 =	vld [tilespmem:s19+$0x42F0]  }
0x4b: {  	v16 =	vld [tilespmem:s19+$0x280];
	v3 =	vadd.f32 v13, v3;
	v13 =	vmul.f32 v14, v14;
	v8 =	vsub.f32 v8, v11  }
0x4c: {  	v11 =	vld [tilespmem:s19+$0x4280]  }
0x4d: {  	v14 =	vld [tilespmem:s19+$0x290];
	v2 =	vadd.f32 v13, v2;
	v8 =	vmul.f32 v8, v8;
	v9 =	vsub.f32 v9, v12  }
0x4e: {  	v12 =	vld [tilespmem:s19+$0x4290]  }
0x4f: {  	v13 =	vld [tilespmem:s19+$0x2A0];
	v10 =	vsub.f32 v10, v15;
	v1 =	vadd.f32 v8, v1;
	v8 =	vmul.f32 v9, v9  }
0x50: {  	v9 =	vld [tilespmem:s19+$0x42A0]  }
0x51: {  	v11 =	vsub.f32 v16, v11;
	v15 =	vld [tilespmem:s19+$0x2B0];
	v10 =	vmul.f32 v10, v10;
	v0 =	vadd.f32 v8, v0  }
0x52: {  	v16 =	vld [tilespmem:s19+$0x42B0]  }
0x53: {  	v8 =	vmul.f32 v11, v11;
	v11 =	vsub.f32 v14, v12;
	v14 =	vld [tilespmem:s19+$0x2C0];
	v4 =	vadd.f32 v10, v4  }
0x54: {  	v17 =	vld [tilespmem:s19+$0x42C0]  }
.Ltmp2:
0x55: {  	v5 =	vadd.f32 v8, v5;
	v10 =	vmul.f32 v11, v11;
	v9 =	vsub.f32 v13, v9;
	v8 =	vld [tilespmem:s19+$0x2D0];
	(pc) =	sbr.rel @p0 .LBB2_3-.Ltmp2, $4  }
0x56: {  	v11 =	vld [tilespmem:s19+$0x42D0]  }
0x57: {  	v6 =	vadd.f32 v10, v6;
	v13 =	vmul.f32 v9, v9;
	v15 =	vsub.f32 v15, v16;
	v9 =	vld [tilespmem:s19+$0x2E0]  }
0x58: {  	v12 =	vld [tilespmem:s19+$0x42E0];
	s19 =	sshra.s32 s18, $0x2  }
0x59: {  	s18 =	sadd.s32 $0x200, s18;
	v10 =	vld [tilespmem:s19+$0x2F0];
	v7 =	vadd.f32 v13, v7;
	v13 =	vmul.f32 v15, v15;
	v14 =	vsub.f32 v14, v17  }
0x5a: {  	v15 =	vld [tilespmem:s19+$0x42F0]  }
0x5b: {  	v16 =	vld [tilespmem:s19+$0x280]  }
0x5c: {  	v17 =	vld [tilespmem:s19+$0x4280]  }
0x5d: {  	v18 =	vld [tilespmem:s19+$0x290]  }
0x5e: {  	v19 =	vld [tilespmem:s19+$0x4290]  }
0x5f: {  	v20 =	vld [tilespmem:s19+$0x2A0]  }
0x60: {  	v21 =	vld [tilespmem:s19+$0x42A0]  }
0x61: {  	v22 =	vld [tilespmem:s19+$0x2B0]  }
0x62: {  	v23 =	vld [tilespmem:s19+$0x42B0]  }
0x63: {  	v24 =	vld [tilespmem:s19+$0x2C0]  }
0x64: {  	v25 =	vld [tilespmem:s19+$0x42C0]  }
0x65: {  	v26 =	vld [tilespmem:s19+$0x2D0]  }
0x66: {  	v27 =	vld [tilespmem:s19+$0x42D0]  }
0x67: {  	v28 =	vld [tilespmem:s19+$0x2E0];
	s18 =	sshll.u32 s17, $0x7;
	p0 =	seq.s32 s17, $0x3  }
0x68: {  	v29 =	vld [tilespmem:s19+$0x42E0];
	s19 =	sadd.s32 @!p0 $0x80, s18;
	s20 =	simm.s32 @!p0 $0x20;
	s21 =	simm.s32 @!p0 $0x4280  }
0x69: {  	[tilespmem:s21], [sflag:$0x1] =	stream.indirect.gather @!p0 [hbm4b:s3+s20], $0x80, s19, s20, $0xb8;
	[tilespmem:$0x8280] =	vst v63  }
0x6a: {  	s19 =	sadd.s32 @!p0 s6, s19  }
0x6b: {  	s19 =	sshll.u32 @!p0 s19, $0x4  }
0x6c: {  	s20 =	simm.s32 @!p0 $0x0;
	s21 =	simm.s32 @!p0 $0x280;
	s19 =	sadd.s32 @!p0 s1, s19  }
0x6d: {  	[tilespmem:s21], [sflag:$0x5] =	stream.linear.gather @!p0 [hbm4b:s19+s20], $0x1000, $0x38;
	[tilespmem:$0x8280] =	vst v63  }
0x6e: {  	_ =	swait.ge [sflag:s28], $0x1000  }
0x6f: {  	[sflag:s28] =	ssyncset.done $0x0  }
0x70: {  	[sflag:s28] =	ssyncadd.s32 $0xFFFFF000  }
0x71: {  	_ =	swait.ge [sflag:s29], $0x1000  }
0x72: {  	v8 =	vsub.f32 v8, v11;
	[sflag:s29] =	ssyncset.done $0x0  }
0x73: {  	v11 =	vmul.f32 v14, v14;
	s21 =	simm.s32 $0x0;
	[sflag:s29] =	ssyncadd.s32 $0xFFFFF000  }
0x74: {  	v8 =	vmul.f32 v8, v8;
	v9 =	vsub.f32 v9, v12;
	v12 =	vld [tilespmem:s21+$0x12F0]  }
0x75: {  	v3 =	vadd.f32 v13, v3;
	v2 =	vadd.f32 v11, v2;
	v11 =	vld [tilespmem:s21+$0x52F0]  }
0x76: {  	v10 =	vsub.f32 v10, v15;
	v1 =	vadd.f32 v8, v1;
	v8 =	vmul.f32 v9, v9;
	v9 =	vld [tilespmem:s21+$0x1280]  }
0x77: {  	v13 =	vsub.f32 v16, v17;
	v14 =	vsub.f32 v18, v19;
	v15 =	vld [tilespmem:s21+$0x5280]  }
0x78: {  	v55 =	vadd.f32 v8, v0;
	v0 =	vmul.f32 v10, v10;
	v8 =	vsub.f32 v20, v21;
	v10 =	vld [tilespmem:s21+$0x1290]  }
0x79: {  	v56 =	vsub.f32 v22, v23;
	v13 =	vmul.f32 v13, v13;
	v14 =	vmul.f32 v14, v14;
	v57 =	vld [tilespmem:s21+$0x5290]  }
0x7a: {  	v58 =	vadd.f32 v0, v4;
	v0 =	vmul.f32 v8, v8;
	v4 =	vsub.f32 v24, v25;
	v8 =	vld [tilespmem:s21+$0x12A0]  }
0x7b: {  	v5 =	vadd.f32 v13, v5;
	v13 =	vadd.f32 v14, v6;
	v6 =	vmul.f32 v56, v56;
	v14 =	vld [tilespmem:s21+$0x52A0]  }
0x7c: {  	v59 =	vadd.f32 v0, v7;
	v4 =	vmul.f32 v4, v4;
	v7 =	vsub.f32 v26, v27;
	v60 =	vld [tilespmem:s21+$0x12B0]  }
0x7d: {  	v0 =	vadd.f32 v6, v3;
	v3 =	vsub.f32 v28, v29;
	v61 =	vld [tilespmem:s21+$0x52B0]  }
0x7e: {  	v62 =	vld [tilespmem:s21+$0x12C0];
	v4 =	vadd.f32 v4, v2;
	v2 =	vmul.f32 v7, v7;
	v6 =	vsub.f32 v12, v11  }
0x7f: {  	v3 =	vmul.f32 v3, v3;
	v9 =	vsub.f32 v9, v15;
	v10 =	vsub.f32 v10, v57;
	v15 =	vld [tilespmem:s21+$0x52C0]  }
0x80: {  	v7 =	vadd.f32 v2, v1;
	v2 =	vsub.f32 v8, v14;
	v8 =	vld [tilespmem:s21+$0x12D0];
	v1 =	vmul.f32 v6, v6  }
0x81: {  	v11 =	vld [tilespmem:s21+$0x52D0];
	v6 =	vadd.f32 v3, v55;
	v3 =	vmul.f32 v9, v9;
	v10 =	vmul.f32 v10, v10  }
0x82: {  	v63 =	vsub.f32 v60, v61;
	v12 =	vld [tilespmem:s21+$0x52E0];
	v14 =	vmul.f32 v2, v2;
	v1 =	vadd.f32 v1, v58  }
0x83: {  	s19 =	simm.s32 $0x80;
	v9 =	vld [tilespmem:s21+$0x12E0];
	v2 =	vadd.f32 v3, v5;
	v3 =	vadd.f32 v10, v13  }
0x84: {  	s20 =	simm.s32 $0x400;
	v10 =	vld [tilespmem:s19+$0x12F0];
	v5 =	vadd.f32 v14, v59;
	v13 =	vmul.f32 v63, v63;
	v14 =	vsub.f32 v62, v15  }
.LBB2_5:
0x85: {  	p1 =	sne.s32 s20, $0x3E00;
	v15 =	vld [tilespmem:s19+$0x52F0]  }
0x86: {  	v16 =	vld [tilespmem:s19+$0x1280];
	v0 =	vadd.f32 v13, v0;
	v13 =	vmul.f32 v14, v14;
	v8 =	vsub.f32 v8, v11  }
0x87: {  	v11 =	vld [tilespmem:s19+$0x5280]  }
0x88: {  	v14 =	vld [tilespmem:s19+$0x1290];
	v4 =	vadd.f32 v13, v4;
	v8 =	vmul.f32 v8, v8;
	v9 =	vsub.f32 v9, v12  }
0x89: {  	v12 =	vld [tilespmem:s19+$0x5290]  }
0x8a: {  	v13 =	vld [tilespmem:s19+$0x12A0];
	v10 =	vsub.f32 v10, v15;
	v7 =	vadd.f32 v8, v7;
	v8 =	vmul.f32 v9, v9  }
0x8b: {  	v9 =	vld [tilespmem:s19+$0x52A0]  }
0x8c: {  	v11 =	vsub.f32 v16, v11;
	v15 =	vld [tilespmem:s19+$0x12B0];
	v10 =	vmul.f32 v10, v10;
	v6 =	vadd.f32 v8, v6  }
0x8d: {  	v16 =	vld [tilespmem:s19+$0x52B0]  }
0x8e: {  	v8 =	vmul.f32 v11, v11;
	v11 =	vsub.f32 v14, v12;
	v14 =	vld [tilespmem:s19+$0x12C0];
	v1 =	vadd.f32 v10, v1  }
0x8f: {  	v17 =	vld [tilespmem:s19+$0x52C0]  }
.Ltmp3:
0x90: {  	v2 =	vadd.f32 v8, v2;
	v10 =	vmul.f32 v11, v11;
	v9 =	vsub.f32 v13, v9;
	v8 =	vld [tilespmem:s19+$0x12D0];
	(pc) =	sbr.rel @p1 .LBB2_5-.Ltmp3, $4  }
0x91: {  	v11 =	vld [tilespmem:s19+$0x52D0]  }
0x92: {  	v3 =	vadd.f32 v10, v3;
	v13 =	vmul.f32 v9, v9;
	v15 =	vsub.f32 v15, v16;
	v9 =	vld [tilespmem:s19+$0x12E0]  }
0x93: {  	v12 =	vld [tilespmem:s19+$0x52E0];
	s19 =	sshra.s32 s20, $0x2  }
0x94: {  	s20 =	sadd.s32 $0x200, s20;
	v10 =	vld [tilespmem:s19+$0x12F0];
	v5 =	vadd.f32 v13, v5;
	v13 =	vmul.f32 v15, v15;
	v14 =	vsub.f32 v14, v17  }
0x95: {  	v15 =	vld [tilespmem:s19+$0x52F0]  }
0x96: {  	v16 =	vld [tilespmem:s19+$0x1280]  }
0x97: {  	v17 =	vld [tilespmem:s19+$0x5280]  }
0x98: {  	v18 =	vld [tilespmem:s19+$0x1290]  }
0x99: {  	v19 =	vld [tilespmem:s19+$0x5290]  }
0x9a: {  	v20 =	vld [tilespmem:s19+$0x12A0]  }
0x9b: {  	v21 =	vld [tilespmem:s19+$0x52A0]  }
0x9c: {  	v22 =	vld [tilespmem:s19+$0x12B0]  }
0x9d: {  	v23 =	vld [tilespmem:s19+$0x52B0]  }
0x9e: {  	v24 =	vld [tilespmem:s19+$0x12C0]  }
0x9f: {  	v25 =	vld [tilespmem:s19+$0x52C0]  }
0xa0: {  	v26 =	vld [tilespmem:s19+$0x12D0]  }
0xa1: {  	v27 =	vld [tilespmem:s19+$0x52D0]  }
0xa2: {  	v28 =	vld [tilespmem:s19+$0x12E0]  }
0xa3: {  	v29 =	vld [tilespmem:s19+$0x52E0];
	s19 =	sadd.s32 @!p0 $0xA0, s18;
	s20 =	simm.s32 @!p0 $0x20;
	s21 =	simm.s32 @!p0 $0x5280  }
0xa4: {  	[tilespmem:s21], [sflag:$0x2] =	stream.indirect.gather @!p0 [hbm4b:s3+s20], $0x80, s19, s20, $0xb8;
	[tilespmem:$0x8280] =	vst v63  }
0xa5: {  	s19 =	sadd.s32 @!p0 s6, s19  }
0xa6: {  	s19 =	sshll.u32 @!p0 s19, $0x4  }
0xa7: {  	s20 =	simm.s32 @!p0 $0x0;
	s21 =	simm.s32 @!p0 $0x1280;
	s19 =	sadd.s32 @!p0 s1, s19  }
0xa8: {  	[tilespmem:s21], [sflag:$0x6] =	stream.linear.gather @!p0 [hbm4b:s19+s20], $0x1000, $0x38;
	[tilespmem:$0x8280] =	vst v63  }
0xa9: {  	_ =	swait.ge [sflag:s30], $0x1000  }
0xaa: {  	[sflag:s30] =	ssyncset.done $0x0  }
0xab: {  	[sflag:s30] =	ssyncadd.s32 $0xFFFFF000  }
0xac: {  	_ =	swait.ge [sflag:s31], $0x1000  }
0xad: {  	v8 =	vsub.f32 v8, v11;
	[sflag:s31] =	ssyncset.done $0x0  }
0xae: {  	v11 =	vmul.f32 v14, v14;
	s21 =	simm.s32 $0x0;
	[sflag:s31] =	ssyncadd.s32 $0xFFFFF000  }
0xaf: {  	v8 =	vmul.f32 v8, v8;
	v9 =	vsub.f32 v9, v12;
	v12 =	vld [tilespmem:s21+$0x22F0]  }
0xb0: {  	v0 =	vadd.f32 v13, v0;
	v4 =	vadd.f32 v11, v4;
	v11 =	vld [tilespmem:s21+$0x62F0]  }
0xb1: {  	v10 =	vsub.f32 v10, v15;
	v7 =	vadd.f32 v8, v7;
	v8 =	vmul.f32 v9, v9;
	v9 =	vld [tilespmem:s21+$0x2280]  }
0xb2: {  	v13 =	vsub.f32 v16, v17;
	v14 =	vsub.f32 v18, v19;
	v15 =	vld [tilespmem:s21+$0x6280]  }
0xb3: {  	v6 =	vadd.f32 v8, v6;
	v8 =	vmul.f32 v10, v10;
	v10 =	vsub.f32 v20, v21;
	v56 =	vld [tilespmem:s21+$0x2290]  }
0xb4: {  	v57 =	vsub.f32 v22, v23;
	v13 =	vmul.f32 v13, v13;
	v14 =	vmul.f32 v14, v14;
	v58 =	vld [tilespmem:s21+$0x6290]  }
0xb5: {  	v1 =	vadd.f32 v8, v1;
	v8 =	vmul.f32 v10, v10;
	v10 =	vsub.f32 v24, v25;
	v59 =	vld [tilespmem:s21+$0x22A0]  }
0xb6: {  	v2 =	vadd.f32 v13, v2;
	v3 =	vadd.f32 v14, v3;
	v13 =	vmul.f32 v57, v57;
	v14 =	vld [tilespmem:s21+$0x62A0]  }
0xb7: {  	v5 =	vadd.f32 v8, v5;
	v8 =	vmul.f32 v10, v10;
	v10 =	vsub.f32 v26, v27;
	v60 =	vld [tilespmem:s21+$0x22B0]  }
0xb8: {  	v0 =	vadd.f32 v13, v0;
	v13 =	vsub.f32 v28, v29;
	v61 =	vld [tilespmem:s21+$0x62B0]  }
0xb9: {  	v62 =	vld [tilespmem:s21+$0x22C0];
	v4 =	vadd.f32 v8, v4;
	v8 =	vmul.f32 v10, v10;
	v10 =	vsub.f32 v12, v11  }
0xba: {  	v9 =	vsub.f32 v9, v15;
	v11 =	vmul.f32 v13, v13;
	v12 =	vsub.f32 v56, v58;
	v15 =	vld [tilespmem:s21+$0x62C0]  }
0xbb: {  	v7 =	vadd.f32 v8, v7;
	v8 =	vld [tilespmem:s21+$0x22D0];
	v13 =	vsub.f32 v59, v14;
	v10 =	vmul.f32 v10, v10  }
0xbc: {  	v6 =	vadd.f32 v11, v6;
	v14 =	vmul.f32 v9, v9;
	v12 =	vmul.f32 v12, v12;
	v11 =	vld [tilespmem:s21+$0x62D0]  }
0xbd: {  	v63 =	vsub.f32 v60, v61;
	v13 =	vmul.f32 v13, v13;
	v9 =	vld [tilespmem:s21+$0x22E0];
	v1 =	vadd.f32 v10, v1  }
0xbe: {  	s19 =	simm.s32 $0x80;
	v2 =	vadd.f32 v14, v2;
	v3 =	vadd.f32 v12, v3;
	v12 =	vld [tilespmem:s21+$0x62E0]  }
0xbf: {  	s20 =	simm.s32 $0x400;
	v10 =	vld [tilespmem:s19+$0x22F0];
	v5 =	vadd.f32 v13, v5;
	v13 =	vmul.f32 v63, v63;
	v14 =	vsub.f32 v62, v15  }
.LBB2_7:
0xc0: {  	p1 =	sne.s32 s20, $0x3E00;
	v15 =	vld [tilespmem:s19+$0x62F0]  }
0xc1: {  	v16 =	vld [tilespmem:s19+$0x2280];
	v0 =	vadd.f32 v13, v0;
	v13 =	vmul.f32 v14, v14;
	v8 =	vsub.f32 v8, v11  }
0xc2: {  	v11 =	vld [tilespmem:s19+$0x6280]  }
0xc3: {  	v14 =	vld [tilespmem:s19+$0x2290];
	v4 =	vadd.f32 v13, v4;
	v8 =	vmul.f32 v8, v8;
	v9 =	vsub.f32 v9, v12  }
0xc4: {  	v12 =	vld [tilespmem:s19+$0x6290]  }
0xc5: {  	v13 =	vld [tilespmem:s19+$0x22A0];
	v10 =	vsub.f32 v10, v15;
	v7 =	vadd.f32 v8, v7;
	v8 =	vmul.f32 v9, v9  }
0xc6: {  	v9 =	vld [tilespmem:s19+$0x62A0]  }
0xc7: {  	v11 =	vsub.f32 v16, v11;
	v15 =	vld [tilespmem:s19+$0x22B0];
	v10 =	vmul.f32 v10, v10;
	v6 =	vadd.f32 v8, v6  }
0xc8: {  	v16 =	vld [tilespmem:s19+$0x62B0]  }
0xc9: {  	v8 =	vmul.f32 v11, v11;
	v11 =	vsub.f32 v14, v12;
	v14 =	vld [tilespmem:s19+$0x22C0];
	v1 =	vadd.f32 v10, v1  }
0xca: {  	v17 =	vld [tilespmem:s19+$0x62C0]  }
.Ltmp4:
0xcb: {  	v2 =	vadd.f32 v8, v2;
	v10 =	vmul.f32 v11, v11;
	v9 =	vsub.f32 v13, v9;
	v8 =	vld [tilespmem:s19+$0x22D0];
	(pc) =	sbr.rel @p1 .LBB2_7-.Ltmp4, $4  }
0xcc: {  	v11 =	vld [tilespmem:s19+$0x62D0]  }
0xcd: {  	v3 =	vadd.f32 v10, v3;
	v13 =	vmul.f32 v9, v9;
	v15 =	vsub.f32 v15, v16;
	v9 =	vld [tilespmem:s19+$0x22E0]  }
0xce: {  	v12 =	vld [tilespmem:s19+$0x62E0];
	s19 =	sshra.s32 s20, $0x2  }
0xcf: {  	s20 =	sadd.s32 $0x200, s20;
	v10 =	vld [tilespmem:s19+$0x22F0];
	v5 =	vadd.f32 v13, v5;
	v13 =	vmul.f32 v15, v15;
	v14 =	vsub.f32 v14, v17  }
0xd0: {  	v15 =	vld [tilespmem:s19+$0x62F0]  }
0xd1: {  	v16 =	vld [tilespmem:s19+$0x2280]  }
0xd2: {  	v17 =	vld [tilespmem:s19+$0x6280]  }
0xd3: {  	v18 =	vld [tilespmem:s19+$0x2290]  }
0xd4: {  	v19 =	vld [tilespmem:s19+$0x6290]  }
0xd5: {  	v20 =	vld [tilespmem:s19+$0x22A0]  }
0xd6: {  	v21 =	vld [tilespmem:s19+$0x62A0]  }
0xd7: {  	v22 =	vld [tilespmem:s19+$0x22B0]  }
0xd8: {  	v23 =	vld [tilespmem:s19+$0x62B0]  }
0xd9: {  	v24 =	vld [tilespmem:s19+$0x22C0]  }
0xda: {  	v25 =	vld [tilespmem:s19+$0x62C0]  }
0xdb: {  	v26 =	vld [tilespmem:s19+$0x22D0]  }
0xdc: {  	v27 =	vld [tilespmem:s19+$0x62D0]  }
0xdd: {  	v28 =	vld [tilespmem:s19+$0x22E0]  }
0xde: {  	v29 =	vld [tilespmem:s19+$0x62E0];
	s19 =	sadd.s32 @!p0 $0xC0, s18;
	s20 =	simm.s32 @!p0 $0x20;
	s21 =	simm.s32 @!p0 $0x6280  }
0xdf: {  	[tilespmem:s21], [sflag:$0x3] =	stream.indirect.gather @!p0 [hbm4b:s3+s20], $0x80, s19, s20, $0xb8;
	[tilespmem:$0x8280] =	vst v63  }
0xe0: {  	s19 =	sadd.s32 @!p0 s6, s19  }
0xe1: {  	s19 =	sshll.u32 @!p0 s19, $0x4  }
0xe2: {  	s20 =	simm.s32 @!p0 $0x0;
	s21 =	simm.s32 @!p0 $0x2280;
	s19 =	sadd.s32 @!p0 s1, s19  }
0xe3: {  	[tilespmem:s21], [sflag:$0x7] =	stream.linear.gather @!p0 [hbm4b:s19+s20], $0x1000, $0x38;
	[tilespmem:$0x8280] =	vst v63  }
0xe4: {  	_ =	swait.ge [sflag:s0], $0x1000  }
0xe5: {  	[sflag:s0] =	ssyncset.done $0x0  }
0xe6: {  	[sflag:s0] =	ssyncadd.s32 $0xFFFFF000  }
0xe7: {  	_ =	swait.ge [sflag:s2], $0x1000  }
0xe8: {  	v8 =	vsub.f32 v8, v11;
	[sflag:s2] =	ssyncset.done $0x0  }
0xe9: {  	v11 =	vmul.f32 v14, v14;
	s21 =	simm.s32 $0x0;
	[sflag:s2] =	ssyncadd.s32 $0xFFFFF000  }
0xea: {  	v8 =	vmul.f32 v8, v8;
	v9 =	vsub.f32 v9, v12;
	v12 =	vld [tilespmem:s21+$0x32F0]  }
0xeb: {  	v0 =	vadd.f32 v13, v0;
	v4 =	vadd.f32 v11, v4;
	v11 =	vld [tilespmem:s21+$0x72F0]  }
0xec: {  	v10 =	vsub.f32 v10, v15;
	v7 =	vadd.f32 v8, v7;
	v8 =	vmul.f32 v9, v9;
	v9 =	vld [tilespmem:s21+$0x3280]  }
0xed: {  	v13 =	vsub.f32 v16, v17;
	v14 =	vsub.f32 v18, v19;
	v15 =	vld [tilespmem:s21+$0x7280]  }
0xee: {  	v6 =	vadd.f32 v8, v6;
	v8 =	vmul.f32 v10, v10;
	v10 =	vsub.f32 v20, v21;
	v56 =	vld [tilespmem:s21+$0x3290]  }
0xef: {  	v57 =	vsub.f32 v22, v23;
	v13 =	vmul.f32 v13, v13;
	v14 =	vmul.f32 v14, v14;
	v58 =	vld [tilespmem:s21+$0x7290]  }
0xf0: {  	v59 =	vadd.f32 v8, v1;
	v1 =	vmul.f32 v10, v10;
	v8 =	vsub.f32 v24, v25;
	v10 =	vld [tilespmem:s21+$0x32A0]  }
0xf1: {  	v13 =	vadd.f32 v13, v2;
	v3 =	vadd.f32 v14, v3;
	v2 =	vmul.f32 v57, v57;
	v14 =	vld [tilespmem:s21+$0x72A0]  }
0xf2: {  	v60 =	vadd.f32 v1, v5;
	v1 =	vmul.f32 v8, v8;
	v5 =	vsub.f32 v26, v27;
	v61 =	vld [tilespmem:s21+$0x32B0]  }
0xf3: {  	v0 =	vadd.f32 v2, v0;
	v2 =	vsub.f32 v28, v29;
	v62 =	vld [tilespmem:s21+$0x72B0]  }
0xf4: {  	v63 =	vld [tilespmem:s21+$0x32C0];
	v1 =	vadd.f32 v1, v4;
	v4 =	vmul.f32 v5, v5;
	v5 =	vsub.f32 v12, v11  }
0xf5: {  	v9 =	vsub.f32 v9, v15;
	v11 =	vmul.f32 v2, v2;
	v12 =	vsub.f32 v56, v58;
	v15 =	vld [tilespmem:s21+$0x72C0]  }
0xf6: {  	v8 =	vld [tilespmem:s21+$0x32D0];
	v2 =	vadd.f32 v4, v7;
	v7 =	vsub.f32 v10, v14;
	v4 =	vmul.f32 v5, v5  }
0xf7: {  	v5 =	vadd.f32 v11, v6;
	v11 =	vmul.f32 v9, v9;
	v12 =	vmul.f32 v12, v12;
	v9 =	vld [tilespmem:s21+$0x72D0]  }
0xf8: {  	v14 =	vsub.f32 v61, v62;
	v10 =	vld [tilespmem:s21+$0x32E0];
	v6 =	vadd.f32 v4, v59;
	v4 =	vmul.f32 v7, v7  }
0xf9: {  	s19 =	simm.s32 $0x80;
	v7 =	vadd.f32 v11, v13;
	v3 =	vadd.f32 v12, v3;
	v12 =	vld [tilespmem:s21+$0x72E0]  }
0xfa: {  	s20 =	simm.s32 $0x400;
	v11 =	vld [tilespmem:s19+$0x32F0];
	v13 =	vmul.f32 v14, v14;
	v14 =	vsub.f32 v63, v15;
	v4 =	vadd.f32 v4, v60  }
.LBB2_9:
0xfb: {  	p1 =	sne.s32 s20, $0x3E00;
	v15 =	vld [tilespmem:s19+$0x72F0]  }
0xfc: {  	v16 =	vld [tilespmem:s19+$0x3280];
	v0 =	vadd.f32 v13, v0;
	v13 =	vmul.f32 v14, v14;
	v8 =	vsub.f32 v8, v9  }
0xfd: {  	v9 =	vld [tilespmem:s19+$0x7280]  }
0xfe: {  	v14 =	vld [tilespmem:s19+$0x3290];
	v1 =	vadd.f32 v13, v1;
	v8 =	vmul.f32 v8, v8;
	v10 =	vsub.f32 v10, v12  }
0xff: {  	v12 =	vld [tilespmem:s19+$0x7290]  }
0x100: {  	v13 =	vld [tilespmem:s19+$0x32A0];
	v11 =	vsub.f32 v11, v15;
	v2 =	vadd.f32 v8, v2;
	v8 =	vmul.f32 v10, v10  }
0x101: {  	v10 =	vld [tilespmem:s19+$0x72A0]  }
0x102: {  	v9 =	vsub.f32 v16, v9;
	v15 =	vld [tilespmem:s19+$0x32B0];
	v11 =	vmul.f32 v11, v11;
	v5 =	vadd.f32 v8, v5  }
0x103: {  	v16 =	vld [tilespmem:s19+$0x72B0]  }
0x104: {  	v8 =	vmul.f32 v9, v9;
	v9 =	vsub.f32 v14, v12;
	v14 =	vld [tilespmem:s19+$0x32C0];
	v6 =	vadd.f32 v11, v6  }
0x105: {  	v17 =	vld [tilespmem:s19+$0x72C0]  }
.Ltmp5:
0x106: {  	v7 =	vadd.f32 v8, v7;
	v11 =	vmul.f32 v9, v9;
	v10 =	vsub.f32 v13, v10;
	v8 =	vld [tilespmem:s19+$0x32D0];
	(pc) =	sbr.rel @p1 .LBB2_9-.Ltmp5, $4  }
0x107: {  	v9 =	vld [tilespmem:s19+$0x72D0]  }
0x108: {  	v3 =	vadd.f32 v11, v3;
	v13 =	vmul.f32 v10, v10;
	v15 =	vsub.f32 v15, v16;
	v10 =	vld [tilespmem:s19+$0x32E0]  }
0x109: {  	v12 =	vld [tilespmem:s19+$0x72E0];
	s19 =	sshra.s32 s20, $0x2  }
0x10a: {  	s20 =	sadd.s32 $0x200, s20;
	v11 =	vld [tilespmem:s19+$0x32F0];
	v4 =	vadd.f32 v13, v4;
	v13 =	vmul.f32 v15, v15;
	v14 =	vsub.f32 v14, v17  }
0x10b: {  	v15 =	vld [tilespmem:s19+$0x72F0]  }
0x10c: {  	v16 =	vld [tilespmem:s19+$0x3280]  }
0x10d: {  	v17 =	vld [tilespmem:s19+$0x7280]  }
0x10e: {  	v18 =	vld [tilespmem:s19+$0x3290]  }
0x10f: {  	v19 =	vld [tilespmem:s19+$0x7290]  }
0x110: {  	v20 =	vld [tilespmem:s19+$0x32A0]  }
0x111: {  	v21 =	vld [tilespmem:s19+$0x72A0]  }
0x112: {  	v22 =	vld [tilespmem:s19+$0x32B0]  }
0x113: {  	v23 =	vld [tilespmem:s19+$0x72B0]  }
0x114: {  	v24 =	vld [tilespmem:s19+$0x32C0]  }
0x115: {  	v25 =	vld [tilespmem:s19+$0x72C0]  }
0x116: {  	v58 =	vld [tilespmem:s19+$0x72D0];
	v8 =	vsub.f32 v8, v9  }
0x117: {  	v60 =	vld [tilespmem:s19+$0x32E0];
	v57 =	vmul.f32 v14, v14;
	v9 =	vsub.f32 v10, v12;
	v11 =	vsub.f32 v11, v15  }
0x118: {  	v61 =	vld [tilespmem:s19+$0x72E0];
	v0 =	vadd.f32 v13, v0;
	v8 =	vmul.f32 v8, v8;
	v59 =	vsub.f32 v16, v17  }
0x119: {  	v10 =	vld [tilespmem:s19+$0x32D0];
	v1 =	vadd.f32 v57, v1;
	v9 =	vmul.f32 v9, v9;
	v11 =	vmul.f32 v11, v11  }
0x11a: {  	v8 =	vadd.f32 v8, v2;
	v62 =	vsub.f32 v18, v19;
	v2 =	vmul.f32 v59, v59  }
0x11b: {  	v9 =	vadd.f32 v9, v5;
	v5 =	vadd.f32 v11, v6  }
0x11c: {  	v6 =	vadd.f32 v2, v7;
	v2 =	vsub.f32 v20, v21  }
0x11d: {  	v63 =	vsub.f32 v24, v25;
	v7 =	vsub.f32 v22, v23;
	v11 =	vmul.f32 v62, v62  }
.Ltmp6:
0x11e: {  	v12 =	vsub.f32 v60, v61;
	v14 =	vsub.f32 v10, v58;
	v2 =	vmul.f32 v2, v2;
	(pc) =	sbr.rel @p0 .LBB2_12-.Ltmp6, $4  }
0x11f: {  	v10 =	vadd.f32 v11, v3;
	v3 =	vmul.f32 v7, v7;
	v11 =	vmul.f32 v63, v63  }
0x120: {  	v12 =	vmul.f32 v12, v12;
	v7 =	vadd.f32 v2, v4;
	v4 =	vmul.f32 v14, v14  }
0x121: {  	v3 =	vadd.f32 v3, v0;
	v2 =	vadd.f32 v11, v1  }
0x122: {  	v0 =	vadd.f32 v12, v9;
	v1 =	vadd.f32 v4, v8  }
0x123: {  	s18 =	sadd.s32 $0xE0, s18  }
0x124: {  	[tilespmem:s23], [sflag:$0x4] =	stream.indirect.gather [hbm4b:s3+s14], $0x80, s18, s14, $0xb8;
	[tilespmem:$0x8280] =	vst v63  }
.Ltmp7:
0x125: {  	_ = 	snop;
	(pc) =	sbr.rel .LBB2_2-.Ltmp7, $4  }
0x126: {  	s18 =	sadd.s32 s6, s18  }
0x127: {  	s18 =	sshll.u32 s18, $0x4  }
0x128: {  	s17 =	sadd.s32 $0x1, s17;
	s18 =	sadd.s32 s1, s18  }
0x129: {  	[tilespmem:s24], [sflag:$0x8] =	stream.linear.gather [hbm4b:s18+s4], $0x1000, $0x38;
	[tilespmem:$0x8280] =	vst v63  }
.LBB2_13:
0x12a: {  	_ =	sfence.sel $0x180000  }
0x12b: {  	[bflag:$0x0] =	sbarrier.arrive $0xFFFF  }
0x12c: {  	_ =	strace $0x90000047  }
0x12d: {  	s0 =	stileid.u32;
	[bflag:$0x2] =	sbarrier.arrive $0xFFFF  }
0x12e: {  	p0 =	sne.s32 s0, $0x0;
	s0 =	rddreg [dreg:$0x4]  }
0x12f: {  	s0 =	sadd.s32 @!p0 $0x100000, s0  }
0x130: {  	[sflag:s0] =	ssyncadd.tile.s32 @!p0 $0x1;
	_ =	shalt  }
.Lfunc_end2:
_tile_overlayer_lowered:
.L_overlay_start_2:
0x131: {  	(tag) =	ssettag $0x2  }
0x132: {  	s0 =	rddreg [dreg:$0x0];
	s2 =	stileid.u32  }
0x133: {  	s1 =	rddreg [dreg:$0x1];
	p0 =	sne.s32 s2, $0x0  }
0x134: {  	s3 =	rddreg [dreg:$0x2];
	[bflag:$0x3] =	sbarrier.arrive $0xFFFF;
	s2 =	simm.s32 @!p0 $0x1C09  }
0x135: {  	[timem:s3], [sflag:s2] =	dma.local @!p0 [hbm:s0], s1  }
0x136: {  	s0 =	simm.s32 @!p0 $0x9  }
0x137: {  	_ =	swait.ge @!p0 [sflag:s0], s1  }
0x138: {  	s1 =	ssub.s32 @!p0 $0x0, s1;
	[sflag:s0] =	ssyncset.done @!p0 $0x0  }
0x139: {  	[sflag:s0] =	ssyncadd.s32 @!p0 s1  }
0x13a: {  	[bflag:$0x3] =	sbarrier.arrive $0xFFFF  }
0x13b: {  	_ =	shalt  }

</sc_bundles>
